<compile_context>
chip_gen: v7x
topology: tpu7x:2x2x1
jax: 0.10.2.dev20260603
libtpu: 0.0.44.dev20260713+nightly
codegen_flags: <defaults>
</compile_context>

<pallas_src>
import jax
import jax.numpy as jnp
import numpy as np
from jax import lax
from jax.experimental import pallas as pl
from jax.experimental.pallas import tpu as pltpu
from jax.experimental.pallas import tpu_sc as plsc

_ROWS = 128
_COLS = 32768
_K = int(0.05 * _COLS)
_L = 16
_NV = _COLS // _L
_NW = 32
_RW = _ROWS // _NW
_NB = 2048
_NB3 = 1024
_SIGN = np.int32(np.uint32(0x80000000).view(np.int32))


def _ku_of(v):
    b = plsc.bitcast(v, jnp.int32)
    return b ^ (lax.shift_right_arithmetic(b, 31) | _SIGN)


def _zero_hist(hist, n):
    @plsc.parallel_loop(0, n // _L, unroll=8)
    def _zero(i):
        hist[pl.ds(i * _L, _L)] = jnp.zeros((_L,), jnp.int32)


def _chunk_pick(v, base, k_scalar):
    iota = lax.iota(jnp.int32, _L)
    csum = plsc.cumsum(v)
    total = jnp.sum(v)
    above = (base + total) - csum
    suf = above + v
    ok = suf >= k_scalar
    m = jnp.sum(ok.astype(jnp.int32))
    a_at = jnp.sum(jnp.where(iota == (m - 1), above, 0))
    return m, a_at, total


def _scan_hist(hist, coarse, n, k_scalar):
    nc = n // _L
    init = (jnp.bool_(False), jnp.int32(0), jnp.int32(0), jnp.int32(0))

    @plsc.parallel_loop(0, nc // _L, unroll=2, carry=init)
    def _cscan(jj, carry):
        found, cb, ac, cum_after = carry
        j = nc // _L - 1 - jj
        v = coarse[pl.ds(j * _L, _L)]
        m, a_at, total = _chunk_pick(v, cum_after, k_scalar)
        hit = jnp.logical_and(jnp.logical_not(found), m > 0)
        cb = jnp.where(hit, j * _L + m - 1, cb)
        ac = jnp.where(hit, a_at, ac)
        found = jnp.logical_or(found, m > 0)
        return found, cb, ac, cum_after + total
    _, cb, ac, _ = _cscan
    vf = hist[pl.ds(cb * _L, _L)]
    m, a_at, _ = _chunk_pick(vf, ac, k_scalar)
    return cb * _L + m - 1, k_scalar - a_at


def _sc_body(x_hbm, o_hbm, row_v, hist_v, cand_v, coarse_v, in_sem, out_sem):
    c = lax.axis_index("c")
    s = lax.axis_index("s")
    wid = s * 2 + c
    row0 = wid * _RW
    ones = jnp.ones((_L,), jnp.int32)

    pltpu.async_copy(x_hbm.at[row0], row_v.at[pl.ds(0, _COLS)], in_sem)

    def do_row(rr, thr_prev):
        row = row0 + rr
        base = (rr & 1) * _COLS
        cur = row_v.at[pl.ds(base, _COLS)]
        prev = row_v.at[pl.ds(_COLS - base, _COLS)]
        pltpu.make_async_copy(x_hbm.at[row], cur, in_sem).wait()

        _zero_hist(hist_v, _NB)

        @plsc.parallel_loop(0, _NV, unroll=8)
        def _h1(i):
            vp = prev[pl.ds(i * _L, _L)]
            prev[pl.ds(i * _L, _L)] = jnp.where(vp >= thr_prev, vp, 0.0)
            ku = _ku_of(cur[pl.ds(i * _L, _L)])
            bucket = lax.shift_right_logical(ku, 21)
            plsc.addupdate_scatter(hist_v, [bucket], ones)

        @pl.when(rr > 0)
        def _issue_prev_out():
            pltpu.async_copy(prev, o_hbm.at[row - 1], out_sem)

        lane0 = lax.iota(jnp.int32, _L) == 0

        @plsc.parallel_loop(0, _NB // _L, unroll=8)
        def _t1(j):
            t = jnp.sum(hist_v[pl.ds(j * _L, _L)])
            plsc.store_scatter(coarse_v, [jnp.full((_L,), j, jnp.int32)],
                               jnp.full((_L,), t, jnp.int32), mask=lane0)
        b1, k2 = _scan_hist(hist_v, coarse_v, _NB, jnp.int32(_K))

        iota = lax.iota(jnp.int32, _L)

        @plsc.parallel_loop(0, _NV, unroll=8, carry=jnp.zeros((_L,), jnp.int32))
        def _c2(i, off):
            ku = _ku_of(cur[pl.ds(i * _L, _L)])
            msk = lax.shift_right_logical(ku, 21) == b1
            pos = off + plsc.cumsum(msk.astype(jnp.int32)) - 1
            plsc.store_scatter(cand_v, [pos], ku, mask=msk)
            return off + plsc.all_reduce_population_count(msk)
        c1_splat = _c2
        c1 = jnp.max(c1_splat)
        ntrip = lax.shift_right_logical(c1 + (_L - 1), 4)

        @pl.when(rr > 0)
        def _wait_prev_out():
            pltpu.make_async_copy(prev, o_hbm.at[row - 1], out_sem).wait()

        @pl.when(rr < _RW - 1)
        def _prefetch_next():
            pltpu.async_copy(x_hbm.at[row + 1], prev, in_sem)

        _zero_hist(hist_v, _NB)
        _zero_hist(coarse_v, _NB // _L)

        @plsc.parallel_loop(0, ntrip, unroll=1)
        def _h2(i):
            ku = cand_v[pl.ds(i * _L, _L)]
            sub = lax.shift_right_logical(ku, 10) & 0x7FF
            msk = (i * _L + iota) < c1_splat
            plsc.addupdate_scatter(hist_v, [sub], ones, mask=msk)
            plsc.addupdate_scatter(coarse_v,
                                   [lax.shift_right_logical(sub, 4)],
                                   ones, mask=msk)
        b2, k3 = _scan_hist(hist_v, coarse_v, _NB, k2)

        _zero_hist(hist_v, _NB3)
        _zero_hist(coarse_v, _NB3 // _L)
        pref21 = b1 * _NB + b2

        @plsc.parallel_loop(0, ntrip, unroll=1)
        def _h3(i):
            ku = cand_v[pl.ds(i * _L, _L)]
            hi22 = lax.shift_right_logical(ku, 10)
            sub = ku & 0x3FF
            msk = jnp.logical_and(hi22 == pref21, (i * _L + iota) < c1_splat)
            plsc.addupdate_scatter(hist_v, [sub], ones, mask=msk)
            plsc.addupdate_scatter(coarse_v,
                                   [lax.shift_right_logical(sub, 4)],
                                   ones, mask=msk)
        b3, _ = _scan_hist(hist_v, coarse_v, _NB3, k3)

        thr_u = (b1 * _NB + b2) * _NB3 + b3
        thr_s = thr_u ^ _SIGN
        thr_bits = jnp.where(thr_s >= 0, thr_s, thr_s ^ 0x7FFFFFFF)
        return plsc.bitcast(jnp.full((_L,), thr_bits, jnp.int32),
                            jnp.float32)

    thr_last = lax.fori_loop(0, _RW, do_row,
                             jnp.full((_L,), jnp.inf, jnp.float32))
    last = row_v.at[pl.ds(((_RW - 1) & 1) * _COLS, _COLS)]

    @plsc.parallel_loop(0, _NV, unroll=8)
    def _mk_last(i):
        v = last[pl.ds(i * _L, _L)]
        last[pl.ds(i * _L, _L)] = jnp.where(v >= thr_last, v, 0.0)
    pltpu.sync_copy(last, o_hbm.at[row0 + _RW - 1])


@jax.jit
def kernel(x):
    kern = pl.kernel(
        _sc_body,
        out_type=jax.ShapeDtypeStruct((_ROWS, _COLS), jnp.float32),
        mesh=plsc.VectorSubcoreMesh(core_axis_name="c", subcore_axis_name="s"),
        scratch_types=[
            pltpu.VMEM((2 * _COLS,), jnp.float32),
            pltpu.VMEM((_NB,), jnp.int32),
            pltpu.VMEM((_COLS,), jnp.int32),
            pltpu.VMEM((_NB // _L,), jnp.int32),
            pltpu.SemaphoreType.DMA,
            pltpu.SemaphoreType.DMA,
        ],
        compiler_params=pltpu.CompilerParams(needs_layout_passes=False),
    )
    return kern(x)

# --- scband reference (transcript-rebuilt; emitter-appended) ---
"""Pipeline reference for scband-kwta1d-7310034338335 (READ-ONLY COPY).

The authoritative reference and input builder live on the scoring server;
editing this copy changes nothing except your own understanding.
"""

import jax, jax.numpy as jnp
import numpy as np


def setup_inputs(seed: int = 0) -> dict:
    key = jax.random.key(seed)
    x = jax.random.normal(key, (128, 32768), dtype=jnp.float32)
    return {"x": x}


def reference(x):
    # KWTA1d(largest=True, absolute=False, ratio=0.05): k = int(ratio * x.shape[1])
    k = int(0.05 * x.shape[1])
    transfx = x  # noabs
    topvals, _ = jax.lax.top_k(transfx, k)  # largest=True
    topval = topvals[:, -1]  # k-th largest value per row
    topval = jnp.broadcast_to(topval[:, None], transfx.shape)
    comp = (transfx >= topval).astype(x.dtype)  # flipcmp with largest=True
    return comp * x

if __name__ == "__main__":
    import jax
    _d = setup_inputs()
    print(jax.jit(kernel)(*tuple(_d.values())))

</pallas_src>

<mosaic_0001>
#map = affine_map<(d0, d1) -> (0, 0)>
module attributes {stable_mosaic.version = 14 : i64} {
  func.func @_sc_body(%arg0: i32, %arg1: i32, %arg2: memref<128x32768xf32, #tpu.memory_space<hbm>>, %arg3: memref<128x32768xf32, #tpu.memory_space<hbm>>, %arg4: memref<65536xf32, #tpu.memory_space<vmem>>, %arg5: memref<2048xi32, #tpu.memory_space<vmem>>, %arg6: memref<32768xi32, #tpu.memory_space<vmem>>, %arg7: memref<128xi32, #tpu.memory_space<vmem>>, %arg8: memref<!tpu.dma_semaphore, #tpu.memory_space<semaphore_mem>>, %arg9: memref<!tpu.dma_semaphore, #tpu.memory_space<semaphore_mem>>) attributes {dimension_semantics = [#tpu.dimension_semantics<core_parallel>, #tpu.dimension_semantics<subcore_parallel>], iteration_bounds = array<i64: 2, 16>, scalar_prefetch = 0 : i64, scratch_operands = 6 : i64, tpu.core_type = #tpu.core_type<sc_vector_subcore>, window_params = [{transform_indices = #map}, {transform_indices = #map}]} {
    %mul3A = arith.constant 2 : i32
    %mul3A_0 = arith.muli %arg1, %mul3A : i32
    %add3A = arith.addi %mul3A_0, %arg0 : i32
    %mul3A_1 = arith.constant 4 : i32
    %mul3A_2 = arith.muli %add3A, %mul3A_1 : i32
    %broadcast_in_dim3A = arith.constant 1 : i32
    %broadcast_in_dim3A_3 = vector.broadcast %broadcast_in_dim3A : i32 to vector<16xi32>
    %dma_start3A = arith.constant 0 : i32
    %dma_start3A_4 = tpu.memref_slice %arg4[%dma_start3A] : memref<65536xf32, #tpu.memory_space<vmem>> -> memref<32768xf32, #tpu.memory_space<vmem>>
    %dma_start3A_5 = arith.constant 0 : i32
    %dma_start3A_6 = tpu.memref_slice %arg2[%mul3A_2, %dma_start3A_5] : memref<128x32768xf32, #tpu.memory_space<hbm>> -> memref<1x32768xf32, #tpu.memory_space<hbm>>
    %dma_start3A_7 = tpu.memref_squeeze %dma_start3A_6 : memref<1x32768xf32, #tpu.memory_space<hbm>> -> memref<32768xf32, #tpu.memory_space<hbm>>
    %dma_start3A_8 = arith.constant 0 : i32
    %dma_start3A_9 = tpu.memref_slice %arg4[%dma_start3A_8] : memref<65536xf32, #tpu.memory_space<vmem>> -> memref<32768xf32, #tpu.memory_space<vmem>>
    %dma_start3A_10 = arith.constant 0 : i32
    %dma_start3A_11 = tpu.memref_slice %arg2[%mul3A_2, %dma_start3A_10] : memref<128x32768xf32, #tpu.memory_space<hbm>> -> memref<1x32768xf32, #tpu.memory_space<hbm>>
    %dma_start3A_12 = tpu.memref_squeeze %dma_start3A_11 : memref<1x32768xf32, #tpu.memory_space<hbm>> -> memref<32768xf32, #tpu.memory_space<hbm>>
    tpu.enqueue_dma source(%dma_start3A_12 : memref<32768xf32, #tpu.memory_space<hbm>>) target(%dma_start3A_9 : memref<32768xf32, #tpu.memory_space<vmem>>) target_semaphore(%arg8 : memref<!tpu.dma_semaphore, #tpu.memory_space<semaphore_mem>>)
    %broadcast_in_dim3A_13 = arith.constant 0x7F800000 : f32
    %broadcast_in_dim3A_14 = vector.broadcast %broadcast_in_dim3A_13 : f32 to vector<16xf32>
    %scan3A = arith.constant 0 : i32
    %scan3A_15 = arith.constant 4 : i32
    %scan3A_16 = arith.addi %scan3A, %scan3A_15 : i32
    %scan3A_17 = arith.constant 1 : i32
    %scan3A_18 = scf.for %scan3A_25 = %scan3A to %scan3A_16 step %scan3A_17 iter_args(%scan3A_26 = %broadcast_in_dim3A_14) -> (vector<16xf32>)  : i32 {
      %add3A_27 = arith.addi %mul3A_2, %scan3A_25 : i32
      %and3A = arith.constant 1 : i32
      %and3A_28 = arith.andi %scan3A_25, %and3A : i32
      %mul3A_29 = arith.constant 32768 : i32
      %mul3A_30 = arith.muli %and3A_28, %mul3A_29 : i32
      %sub3A_31 = arith.constant 32768 : i32
      %sub3A_32 = arith.subi %sub3A_31, %mul3A_30 : i32
      %dma_wait3A = tpu.memref_slice %arg4[%mul3A_30] : memref<65536xf32, #tpu.memory_space<vmem>> -> memref<32768xf32, #tpu.memory_space<vmem>>
      %dma_wait3A_33 = arith.constant 0 : i32
      %dma_wait3A_34 = tpu.memref_slice %arg2[%add3A_27, %dma_wait3A_33] : memref<128x32768xf32, #tpu.memory_space<hbm>> -> memref<1x32768xf32, #tpu.memory_space<hbm>>
      %dma_wait3A_35 = tpu.memref_squeeze %dma_wait3A_34 : memref<1x32768xf32, #tpu.memory_space<hbm>> -> memref<32768xf32, #tpu.memory_space<hbm>>
      %dma_wait3A_36 = tpu.memref_slice %arg4[%mul3A_30] : memref<65536xf32, #tpu.memory_space<vmem>> -> memref<32768xf32, #tpu.memory_space<vmem>>
      %dma_wait3A_37 = arith.constant 0 : i32
      %dma_wait3A_38 = tpu.memref_slice %arg2[%add3A_27, %dma_wait3A_37] : memref<128x32768xf32, #tpu.memory_space<hbm>> -> memref<1x32768xf32, #tpu.memory_space<hbm>>
      %dma_wait3A_39 = tpu.memref_squeeze %dma_wait3A_38 : memref<1x32768xf32, #tpu.memory_space<hbm>> -> memref<32768xf32, #tpu.memory_space<hbm>>
      tpu.wait_dma2 semaphore(%arg8 : memref<!tpu.dma_semaphore, #tpu.memory_space<semaphore_mem>>) src(%dma_wait3A_39 : memref<32768xf32, #tpu.memory_space<hbm>>) dst(%dma_wait3A_36 : memref<32768xf32, #tpu.memory_space<vmem>>)
      %parallel_loop3A_40 = arith.constant 0 : i32
      %parallel_loop3A_41 = arith.constant 128 : i32
      %parallel_loop3A_42 = arith.constant 1 : i32
      scf.for %parallel_loop3A_252 = %parallel_loop3A_40 to %parallel_loop3A_41 step %parallel_loop3A_42  : i32 {
        %parallel_loop3A_253 = arith.constant 0 : i32
        %parallel_loop3A_254 = vector.broadcast %parallel_loop3A_253 : i32 to vector<16xi32>
        %parallel_loop3A_255 = arith.constant 16 : i32
        %parallel_loop3A_256 = arith.muli %parallel_loop3A_252, %parallel_loop3A_255 : i32
        %parallel_loop3A_257 = arith.index_cast %parallel_loop3A_256 : i32 to index
        %parallel_loop3A_258 = tpu.vector_load %arg5[%parallel_loop3A_257] {strides = array<i32>} : memref<2048xi32, #tpu.memory_space<vmem>>, vector<16xi32>,
        tpu.vector_store %arg5[%parallel_loop3A_257], %parallel_loop3A_254 {strides = array<i32>} : memref<2048xi32, #tpu.memory_space<vmem>>, vector<16xi32>,
      } {sc.loop_unroll_factor = 8 : i64, sc.parallel_access}
      %parallel_loop3A_43 = arith.constant 0 : i32
      %parallel_loop3A_44 = arith.constant 2048 : i32
      %parallel_loop3A_45 = arith.constant 1 : i32
      scf.for %parallel_loop3A_252 = %parallel_loop3A_43 to %parallel_loop3A_44 step %parallel_loop3A_45  : i32 {
        %parallel_loop3A_253 = arith.constant 16 : i32
        %parallel_loop3A_254 = arith.muli %parallel_loop3A_252, %parallel_loop3A_253 : i32
        %parallel_loop3A_255 = tpu.memref_slice %arg4[%sub3A_32] : memref<65536xf32, #tpu.memory_space<vmem>> -> memref<32768xf32, #tpu.memory_space<vmem>>
        %parallel_loop3A_256 = arith.index_cast %parallel_loop3A_254 : i32 to index
        %parallel_loop3A_257 = tpu.vector_load %parallel_loop3A_255[%parallel_loop3A_256] {strides = array<i32>} : memref<32768xf32, #tpu.memory_space<vmem>>, vector<16xf32>,
        %parallel_loop3A_258 = arith.cmpf oge, %parallel_loop3A_257, %scan3A_26 : vector<16xf32>
        %parallel_loop3A_259 = arith.constant 0.000000e+00 : f32
        %parallel_loop3A_260 = vector.broadcast %parallel_loop3A_259 : f32 to vector<16xf32>
        %parallel_loop3A_261 = arith.select %parallel_loop3A_258, %parallel_loop3A_257, %parallel_loop3A_260 : vector<16xi1>, vector<16xf32>
        %parallel_loop3A_262 = arith.constant 16 : i32
        %parallel_loop3A_263 = arith.muli %parallel_loop3A_252, %parallel_loop3A_262 : i32
        %parallel_loop3A_264 = tpu.memref_slice %arg4[%sub3A_32] : memref<65536xf32, #tpu.memory_space<vmem>> -> memref<32768xf32, #tpu.memory_space<vmem>>
        %parallel_loop3A_265 = arith.index_cast %parallel_loop3A_263 : i32 to index
        %parallel_loop3A_266 = tpu.vector_load %parallel_loop3A_264[%parallel_loop3A_265] {strides = array<i32>} : memref<32768xf32, #tpu.memory_space<vmem>>, vector<16xf32>,
        tpu.vector_store %parallel_loop3A_264[%parallel_loop3A_265], %parallel_loop3A_261 {strides = array<i32>} : memref<32768xf32, #tpu.memory_space<vmem>>, vector<16xf32>,
        %parallel_loop3A_267 = arith.constant 16 : i32
        %parallel_loop3A_268 = arith.muli %parallel_loop3A_252, %parallel_loop3A_267 : i32
        %parallel_loop3A_269 = tpu.memref_slice %arg4[%mul3A_30] : memref<65536xf32, #tpu.memory_space<vmem>> -> memref<32768xf32, #tpu.memory_space<vmem>>
        %parallel_loop3A_270 = arith.index_cast %parallel_loop3A_268 : i32 to index
        %parallel_loop3A_271 = tpu.vector_load %parallel_loop3A_269[%parallel_loop3A_270] {strides = array<i32>} : memref<32768xf32, #tpu.memory_space<vmem>>, vector<16xf32>,
        %parallel_loop3A_272 = vector.bitcast %parallel_loop3A_271 : vector<16xf32> to vector<16xi32>
        %parallel_loop3A_273 = arith.constant 31 : i32
        %parallel_loop3A_274 = vector.broadcast %parallel_loop3A_273 : i32 to vector<16xi32>
        %parallel_loop3A_275 = arith.shrsi %parallel_loop3A_272, %parallel_loop3A_274 : vector<16xi32>
        %parallel_loop3A_276 = arith.constant -2147483648 : i32
        %parallel_loop3A_277 = vector.broadcast %parallel_loop3A_276 : i32 to vector<16xi32>
        %parallel_loop3A_278 = arith.ori %parallel_loop3A_275, %parallel_loop3A_277 : vector<16xi32>
        %parallel_loop3A_279 = arith.xori %parallel_loop3A_272, %parallel_loop3A_278 : vector<16xi32>
        %parallel_loop3A_280 = arith.constant 21 : i32
        %parallel_loop3A_281 = vector.broadcast %parallel_loop3A_280 : i32 to vector<16xi32>
        %parallel_loop3A_282 = arith.shrui %parallel_loop3A_279, %parallel_loop3A_281 : vector<16xi32>
        tpu.vector_store_idx %arg5[%parallel_loop3A_282], %broadcast_in_dim3A_3 {add = true} : memref<2048xi32, #tpu.memory_space<vmem>>[vector<16xi32>], vector<16xi32>,
      } {sc.loop_unroll_factor = 8 : i64, sc.parallel_access}
      %gt3A = arith.constant 0 : i32
      %gt3A_46 = arith.cmpi sgt, %scan3A_25, %gt3A : i32
      %convert_element_type3A = arith.extui %gt3A_46 : i1 to i32
      %cond3A = arith.constant 0 : i32
      %cond3A_47 = arith.cmpi ne, %convert_element_type3A, %cond3A : i32
      scf.if %cond3A_47 {
        %sub3A_252 = arith.constant 1 : i32
        %sub3A_253 = arith.subi %add3A_27, %sub3A_252 : i32
        %dma_start3A_254 = tpu.memref_slice %arg4[%sub3A_32] : memref<65536xf32, #tpu.memory_space<vmem>> -> memref<32768xf32, #tpu.memory_space<vmem>>
        %dma_start3A_255 = arith.constant 0 : i32
        %dma_start3A_256 = tpu.memref_slice %arg3[%sub3A_253, %dma_start3A_255] : memref<128x32768xf32, #tpu.memory_space<hbm>> -> memref<1x32768xf32, #tpu.memory_space<hbm>>
        %dma_start3A_257 = tpu.memref_squeeze %dma_start3A_256 : memref<1x32768xf32, #tpu.memory_space<hbm>> -> memref<32768xf32, #tpu.memory_space<hbm>>
        %dma_start3A_258 = arith.constant 0 : i32
        %dma_start3A_259 = tpu.memref_slice %arg3[%sub3A_253, %dma_start3A_258] : memref<128x32768xf32, #tpu.memory_space<hbm>> -> memref<1x32768xf32, #tpu.memory_space<hbm>>
        %dma_start3A_260 = tpu.memref_squeeze %dma_start3A_259 : memref<1x32768xf32, #tpu.memory_space<hbm>> -> memref<32768xf32, #tpu.memory_space<hbm>>
        %dma_start3A_261 = tpu.memref_slice %arg4[%sub3A_32] : memref<65536xf32, #tpu.memory_space<vmem>> -> memref<32768xf32, #tpu.memory_space<vmem>>
        tpu.enqueue_dma source(%dma_start3A_261 : memref<32768xf32, #tpu.memory_space<vmem>>) target(%dma_start3A_260 : memref<32768xf32, #tpu.memory_space<hbm>>) target_semaphore(%arg9 : memref<!tpu.dma_semaphore, #tpu.memory_space<semaphore_mem>>)
      } else {
      }
      %iota3A = tpu.iota {dimensions = array<i32: 0>} : vector<16xi32>
      %eq3A = arith.constant 0 : i32
      %eq3A_48 = vector.broadcast %eq3A : i32 to vector<16xi32>
      %eq3A_49 = arith.cmpi eq, %iota3A, %eq3A_48 : vector<16xi32>
      %parallel_loop3A_50 = arith.constant 0 : i32
      %parallel_loop3A_51 = arith.constant 128 : i32
      %parallel_loop3A_52 = arith.constant 1 : i32
      scf.for %parallel_loop3A_252 = %parallel_loop3A_50 to %parallel_loop3A_51 step %parallel_loop3A_52  : i32 {
        %parallel_loop3A_253 = arith.constant 16 : i32
        %parallel_loop3A_254 = arith.muli %parallel_loop3A_252, %parallel_loop3A_253 : i32
        %parallel_loop3A_255 = arith.index_cast %parallel_loop3A_254 : i32 to index
        %parallel_loop3A_256 = tpu.vector_load %arg5[%parallel_loop3A_255] {strides = array<i32>} : memref<2048xi32, #tpu.memory_space<vmem>>, vector<16xi32>,
        %parallel_loop3A_257 = arith.constant true
        %parallel_loop3A_258 = vector.broadcast %parallel_loop3A_257 : i1 to vector<16xi1>
        %parallel_loop3A_259 = tpu.scan <sum>, %parallel_loop3A_256 masked %parallel_loop3A_258 : vector<16xi32>, vector<16xi1> -> vector<16xi32>
        %parallel_loop3A_260 = vector.extract %parallel_loop3A_259[15] : i32 from vector<16xi32>
        %parallel_loop3A_261 = vector.broadcast %parallel_loop3A_252 : i32 to vector<16xi32>
        %parallel_loop3A_262 = vector.broadcast %parallel_loop3A_260 : i32 to vector<16xi32>
        tpu.vector_store_idx %arg7[%parallel_loop3A_261], %parallel_loop3A_262 masked %eq3A_49 : memref<128xi32, #tpu.memory_space<vmem>>[vector<16xi32>], vector<16xi32>, vector<16xi1>
      } {sc.loop_unroll_factor = 8 : i64, sc.parallel_access}
      %parallel_loop3A_53 = arith.constant 0 : i32
      %parallel_loop3A_54 = arith.constant 8 : i32
      %parallel_loop3A_55 = arith.constant 1 : i32
      %parallel_loop3A_56 = arith.constant 1638 : i32
      %parallel_loop3A_57 = arith.constant false
      %parallel_loop3A_58 = arith.constant 0 : i32
      %parallel_loop3A_59 = arith.constant 0 : i32
      %parallel_loop3A_60 = arith.constant 0 : i32
      %parallel_loop3A_61:4 = scf.for %parallel_loop3A_252 = %parallel_loop3A_53 to %parallel_loop3A_54 step %parallel_loop3A_55 iter_args(%parallel_loop3A_253 = %parallel_loop3A_57, %parallel_loop3A_254 = %parallel_loop3A_58, %parallel_loop3A_255 = %parallel_loop3A_59, %parallel_loop3A_256 = %parallel_loop3A_60) -> (i1, i32, i32, i32)  : i32 {
        %parallel_loop3A_257 = arith.constant 7 : i32
        %parallel_loop3A_258 = arith.subi %parallel_loop3A_257, %parallel_loop3A_252 : i32
        %parallel_loop3A_259 = arith.constant 16 : i32
        %parallel_loop3A_260 = arith.muli %parallel_loop3A_258, %parallel_loop3A_259 : i32
        %parallel_loop3A_261 = arith.index_cast %parallel_loop3A_260 : i32 to index
        %parallel_loop3A_262 = tpu.vector_load %arg7[%parallel_loop3A_261] {strides = array<i32>} : memref<128xi32, #tpu.memory_space<vmem>>, vector<16xi32>,
        %parallel_loop3A_263 = tpu.iota {dimensions = array<i32: 0>} : vector<16xi32>
        %parallel_loop3A_264 = arith.constant true
        %parallel_loop3A_265 = vector.broadcast %parallel_loop3A_264 : i1 to vector<16xi1>
        %parallel_loop3A_266 = tpu.scan <sum>, %parallel_loop3A_262 masked %parallel_loop3A_265 : vector<16xi32>, vector<16xi1> -> vector<16xi32>
        %parallel_loop3A_267 = arith.constant true
        %parallel_loop3A_268 = vector.broadcast %parallel_loop3A_267 : i1 to vector<16xi1>
        %parallel_loop3A_269 = tpu.scan <sum>, %parallel_loop3A_262 masked %parallel_loop3A_268 : vector<16xi32>, vector<16xi1> -> vector<16xi32>
        %parallel_loop3A_270 = vector.extract %parallel_loop3A_269[15] : i32 from vector<16xi32>
        %parallel_loop3A_271 = arith.addi %parallel_loop3A_256, %parallel_loop3A_270 : i32
        %parallel_loop3A_272 = vector.broadcast %parallel_loop3A_271 : i32 to vector<16xi32>
        %parallel_loop3A_273 = arith.subi %parallel_loop3A_272, %parallel_loop3A_266 : vector<16xi32>
        %parallel_loop3A_274 = arith.addi %parallel_loop3A_273, %parallel_loop3A_262 : vector<16xi32>
        %parallel_loop3A_275 = vector.broadcast %parallel_loop3A_56 : i32 to vector<16xi32>
        %parallel_loop3A_276 = arith.cmpi sge, %parallel_loop3A_274, %parallel_loop3A_275 : vector<16xi32>
        %parallel_loop3A_277 = arith.extui %parallel_loop3A_276 : vector<16xi1> to vector<16xi32>
        %parallel_loop3A_278 = arith.constant true
        %parallel_loop3A_279 = vector.broadcast %parallel_loop3A_278 : i1 to vector<16xi1>
        %parallel_loop3A_280 = tpu.scan <sum>, %parallel_loop3A_277 masked %parallel_loop3A_279 : vector<16xi32>, vector<16xi1> -> vector<16xi32>
        %parallel_loop3A_281 = vector.extract %parallel_loop3A_280[15] : i32 from vector<16xi32>
        %parallel_loop3A_282 = arith.constant 1 : i32
        %parallel_loop3A_283 = arith.subi %parallel_loop3A_281, %parallel_loop3A_282 : i32
        %parallel_loop3A_284 = vector.broadcast %parallel_loop3A_283 : i32 to vector<16xi32>
        %parallel_loop3A_285 = arith.cmpi eq, %parallel_loop3A_263, %parallel_loop3A_284 : vector<16xi32>
        %parallel_loop3A_286 = arith.constant 0 : i32
        %parallel_loop3A_287 = vector.broadcast %parallel_loop3A_286 : i32 to vector<16xi32>
        %parallel_loop3A_288 = arith.select %parallel_loop3A_285, %parallel_loop3A_273, %parallel_loop3A_287 : vector<16xi1>, vector<16xi32>
        %parallel_loop3A_289 = arith.constant true
        %parallel_loop3A_290 = vector.broadcast %parallel_loop3A_289 : i1 to vector<16xi1>
        %parallel_loop3A_291 = tpu.scan <sum>, %parallel_loop3A_288 masked %parallel_loop3A_290 : vector<16xi32>, vector<16xi1> -> vector<16xi32>
        %parallel_loop3A_292 = vector.extract %parallel_loop3A_291[15] : i32 from vector<16xi32>
        %parallel_loop3A_293 = arith.constant true
        %parallel_loop3A_294 = arith.xori %parallel_loop3A_253, %parallel_loop3A_293 : i1
        %parallel_loop3A_295 = arith.constant 0 : i32
        %parallel_loop3A_296 = arith.cmpi sgt, %parallel_loop3A_281, %parallel_loop3A_295 : i32
        %parallel_loop3A_297 = arith.andi %parallel_loop3A_294, %parallel_loop3A_296 : i1
        %parallel_loop3A_298 = arith.constant 16 : i32
        %parallel_loop3A_299 = arith.muli %parallel_loop3A_258, %parallel_loop3A_298 : i32
        %parallel_loop3A_300 = arith.addi %parallel_loop3A_299, %parallel_loop3A_281 : i32
        %parallel_loop3A_301 = arith.constant 1 : i32
        %parallel_loop3A_302 = arith.subi %parallel_loop3A_300, %parallel_loop3A_301 : i32
        %parallel_loop3A_303 = arith.select %parallel_loop3A_297, %parallel_loop3A_302, %parallel_loop3A_254 : i32
        %parallel_loop3A_304 = arith.select %parallel_loop3A_297, %parallel_loop3A_292, %parallel_loop3A_255 : i32
        %parallel_loop3A_305 = arith.constant 0 : i32
        %parallel_loop3A_306 = arith.cmpi sgt, %parallel_loop3A_281, %parallel_loop3A_305 : i32
        %parallel_loop3A_307 = arith.ori %parallel_loop3A_253, %parallel_loop3A_306 : i1
        %parallel_loop3A_308 = arith.addi %parallel_loop3A_256, %parallel_loop3A_270 : i32
        scf.yield %parallel_loop3A_307, %parallel_loop3A_303, %parallel_loop3A_304, %parallel_loop3A_308 : i1, i32, i32, i32
      } {sc.loop_unroll_factor = 2 : i64, sc.parallel_access}
      %mul3A_62 = arith.constant 16 : i32
      %mul3A_63 = arith.muli %parallel_loop3A_61#1, %mul3A_62 : i32
      %get3A = arith.index_cast %mul3A_63 : i32 to index
      %get3A_64 = tpu.vector_load %arg5[%get3A] {strides = array<i32>} : memref<2048xi32, #tpu.memory_space<vmem>>, vector<16xi32>,
      %iota3A_65 = tpu.iota {dimensions = array<i32: 0>} : vector<16xi32>
      %broadcast_in_dim3A_66 = arith.constant true
      %broadcast_in_dim3A_67 = vector.broadcast %broadcast_in_dim3A_66 : i1 to vector<16xi1>
      %masked_cumsum3A = tpu.scan <sum>, %get3A_64 masked %broadcast_in_dim3A_67 : vector<16xi32>, vector<16xi1> -> vector<16xi32>
      %reduce_sum3A = arith.constant true
      %reduce_sum3A_68 = vector.broadcast %reduce_sum3A : i1 to vector<16xi1>
      %reduce_sum3A_69 = tpu.scan <sum>, %get3A_64 masked %reduce_sum3A_68 : vector<16xi32>, vector<16xi1> -> vector<16xi32>
      %reduce_sum3A_70 = vector.extract %reduce_sum3A_69[15] : i32 from vector<16xi32>
      %add3A_71 = arith.addi %parallel_loop3A_61#2, %reduce_sum3A_70 : i32
      %sub3A_72 = vector.broadcast %add3A_71 : i32 to vector<16xi32>
      %sub3A_73 = arith.subi %sub3A_72, %masked_cumsum3A : vector<16xi32>
      %add3A_74 = arith.addi %sub3A_73, %get3A_64 : vector<16xi32>
      %ge3A = arith.constant 1638 : i32
      %ge3A_75 = vector.broadcast %ge3A : i32 to vector<16xi32>
      %ge3A_76 = arith.cmpi sge, %add3A_74, %ge3A_75 : vector<16xi32>
      %convert_element_type3A_77 = arith.extui %ge3A_76 : vector<16xi1> to vector<16xi32>
      %reduce_sum3A_78 = arith.constant true
      %reduce_sum3A_79 = vector.broadcast %reduce_sum3A_78 : i1 to vector<16xi1>
      %reduce_sum3A_80 = tpu.scan <sum>, %convert_element_type3A_77 masked %reduce_sum3A_79 : vector<16xi32>, vector<16xi1> -> vector<16xi32>
      %reduce_sum3A_81 = vector.extract %reduce_sum3A_80[15] : i32 from vector<16xi32>
      %sub3A_82 = arith.constant 1 : i32
      %sub3A_83 = arith.subi %reduce_sum3A_81, %sub3A_82 : i32
      %eq3A_84 = vector.broadcast %sub3A_83 : i32 to vector<16xi32>
      %eq3A_85 = arith.cmpi eq, %iota3A_65, %eq3A_84 : vector<16xi32>
      %jit3A = arith.constant 0 : i32
      %broadcast_in_dim3A_86 = vector.broadcast %jit3A : i32 to vector<16xi32>
      %select_n3A = arith.select %eq3A_85, %sub3A_73, %broadcast_in_dim3A_86 : vector<16xi1>, vector<16xi32>
      %reduce_sum3A_87 = arith.constant true
      %reduce_sum3A_88 = vector.broadcast %reduce_sum3A_87 : i1 to vector<16xi1>
      %reduce_sum3A_89 = tpu.scan <sum>, %select_n3A masked %reduce_sum3A_88 : vector<16xi32>, vector<16xi1> -> vector<16xi32>
      %reduce_sum3A_90 = vector.extract %reduce_sum3A_89[15] : i32 from vector<16xi32>
      %mul3A_91 = arith.constant 16 : i32
      %mul3A_92 = arith.muli %parallel_loop3A_61#1, %mul3A_91 : i32
      %add3A_93 = arith.addi %mul3A_92, %reduce_sum3A_81 : i32
      %sub3A_94 = arith.constant 1 : i32
      %sub3A_95 = arith.subi %add3A_93, %sub3A_94 : i32
      %sub3A_96 = arith.constant 1638 : i32
      %sub3A_97 = arith.subi %sub3A_96, %reduce_sum3A_90 : i32
      %iota3A_98 = tpu.iota {dimensions = array<i32: 0>} : vector<16xi32>
      %broadcast_in_dim3A_99 = arith.constant 0 : i32
      %broadcast_in_dim3A_100 = vector.broadcast %broadcast_in_dim3A_99 : i32 to vector<16xi32>
      %parallel_loop3A_101 = arith.constant 0 : i32
      %parallel_loop3A_102 = arith.constant 2048 : i32
      %parallel_loop3A_103 = arith.constant 1 : i32
      %parallel_loop3A_104 = scf.for %parallel_loop3A_252 = %parallel_loop3A_101 to %parallel_loop3A_102 step %parallel_loop3A_103 iter_args(%parallel_loop3A_253 = %broadcast_in_dim3A_100) -> (vector<16xi32>)  : i32 {
        %parallel_loop3A_254 = arith.constant 16 : i32
        %parallel_loop3A_255 = arith.muli %parallel_loop3A_252, %parallel_loop3A_254 : i32
        %parallel_loop3A_256 = tpu.memref_slice %arg4[%mul3A_30] : memref<65536xf32, #tpu.memory_space<vmem>> -> memref<32768xf32, #tpu.memory_space<vmem>>
        %parallel_loop3A_257 = arith.index_cast %parallel_loop3A_255 : i32 to index
        %parallel_loop3A_258 = tpu.vector_load %parallel_loop3A_256[%parallel_loop3A_257] {strides = array<i32>} : memref<32768xf32, #tpu.memory_space<vmem>>, vector<16xf32>,
        %parallel_loop3A_259 = vector.bitcast %parallel_loop3A_258 : vector<16xf32> to vector<16xi32>
        %parallel_loop3A_260 = arith.constant 31 : i32
        %parallel_loop3A_261 = vector.broadcast %parallel_loop3A_260 : i32 to vector<16xi32>
        %parallel_loop3A_262 = arith.shrsi %parallel_loop3A_259, %parallel_loop3A_261 : vector<16xi32>
        %parallel_loop3A_263 = arith.constant -2147483648 : i32
        %parallel_loop3A_264 = vector.broadcast %parallel_loop3A_263 : i32 to vector<16xi32>
        %parallel_loop3A_265 = arith.ori %parallel_loop3A_262, %parallel_loop3A_264 : vector<16xi32>
        %parallel_loop3A_266 = arith.xori %parallel_loop3A_259, %parallel_loop3A_265 : vector<16xi32>
        %parallel_loop3A_267 = arith.constant 21 : i32
        %parallel_loop3A_268 = vector.broadcast %parallel_loop3A_267 : i32 to vector<16xi32>
        %parallel_loop3A_269 = arith.shrui %parallel_loop3A_266, %parallel_loop3A_268 : vector<16xi32>
        %parallel_loop3A_270 = vector.broadcast %sub3A_95 : i32 to vector<16xi32>
        %parallel_loop3A_271 = arith.cmpi eq, %parallel_loop3A_269, %parallel_loop3A_270 : vector<16xi32>
        %parallel_loop3A_272 = arith.extui %parallel_loop3A_271 : vector<16xi1> to vector<16xi32>
        %parallel_loop3A_273 = arith.constant true
        %parallel_loop3A_274 = vector.broadcast %parallel_loop3A_273 : i1 to vector<16xi1>
        %parallel_loop3A_275 = tpu.scan <sum>, %parallel_loop3A_272 masked %parallel_loop3A_274 : vector<16xi32>, vector<16xi1> -> vector<16xi32>
        %parallel_loop3A_276 = arith.addi %parallel_loop3A_253, %parallel_loop3A_275 : vector<16xi32>
        %parallel_loop3A_277 = arith.constant 1 : i32
        %parallel_loop3A_278 = vector.broadcast %parallel_loop3A_277 : i32 to vector<16xi32>
        %parallel_loop3A_279 = arith.subi %parallel_loop3A_276, %parallel_loop3A_278 : vector<16xi32>
        tpu.vector_store_idx %arg6[%parallel_loop3A_279], %parallel_loop3A_266 masked %parallel_loop3A_271 : memref<32768xi32, #tpu.memory_space<vmem>>[vector<16xi32>], vector<16xi32>, vector<16xi1>
        %parallel_loop3A_280 = tpu.all_reduce %parallel_loop3A_271 {dim = 0 : i64, kind = #tpu.reduction_kind<sum>} : vector<16xi1> -> vector<16xi32>
        %parallel_loop3A_281 = arith.addi %parallel_loop3A_253, %parallel_loop3A_280 : vector<16xi32>
        scf.yield %parallel_loop3A_281 : vector<16xi32>
      } {sc.loop_unroll_factor = 8 : i64, sc.parallel_access}
      %reduce_max3A = arith.constant true
      %reduce_max3A_105 = vector.broadcast %reduce_max3A : i1 to vector<16xi1>
      %reduce_max3A_106 = arith.constant -2147483648 : i32
      %reduce_max3A_107 = vector.broadcast %reduce_max3A_106 : i32 to vector<16xi32>
      %reduce_max3A_108 = arith.xori %parallel_loop3A_104, %reduce_max3A_107 : vector<16xi32>
      %reduce_max3A_109 = tpu.scan <max>, %reduce_max3A_108 masked %reduce_max3A_105 : vector<16xi32>, vector<16xi1> -> vector<16xi32>
      %reduce_max3A_110 = arith.xori %reduce_max3A_109, %reduce_max3A_107 : vector<16xi32>
      %reduce_max3A_111 = vector.extract %reduce_max3A_110[15] : i32 from vector<16xi32>
      %add3A_112 = arith.constant 15 : i32
      %add3A_113 = arith.addi %reduce_max3A_111, %add3A_112 : i32
      %shift_right_logical3A = arith.constant 4 : i32
      %shift_right_logical3A_114 = arith.shrui %add3A_113, %shift_right_logical3A : i32
      %gt3A_115 = arith.constant 0 : i32
      %gt3A_116 = arith.cmpi sgt, %scan3A_25, %gt3A_115 : i32
      %convert_element_type3A_117 = arith.extui %gt3A_116 : i1 to i32
      %cond3A_118 = arith.constant 0 : i32
      %cond3A_119 = arith.cmpi ne, %convert_element_type3A_117, %cond3A_118 : i32
      scf.if %cond3A_119 {
        %sub3A_252 = arith.constant 1 : i32
        %sub3A_253 = arith.subi %add3A_27, %sub3A_252 : i32
        %dma_wait3A_254 = tpu.memref_slice %arg4[%sub3A_32] : memref<65536xf32, #tpu.memory_space<vmem>> -> memref<32768xf32, #tpu.memory_space<vmem>>
        %dma_wait3A_255 = arith.constant 0 : i32
        %dma_wait3A_256 = tpu.memref_slice %arg3[%sub3A_253, %dma_wait3A_255] : memref<128x32768xf32, #tpu.memory_space<hbm>> -> memref<1x32768xf32, #tpu.memory_space<hbm>>
        %dma_wait3A_257 = tpu.memref_squeeze %dma_wait3A_256 : memref<1x32768xf32, #tpu.memory_space<hbm>> -> memref<32768xf32, #tpu.memory_space<hbm>>
        %dma_wait3A_258 = arith.constant 0 : i32
        %dma_wait3A_259 = tpu.memref_slice %arg3[%sub3A_253, %dma_wait3A_258] : memref<128x32768xf32, #tpu.memory_space<hbm>> -> memref<1x32768xf32, #tpu.memory_space<hbm>>
        %dma_wait3A_260 = tpu.memref_squeeze %dma_wait3A_259 : memref<1x32768xf32, #tpu.memory_space<hbm>> -> memref<32768xf32, #tpu.memory_space<hbm>>
        %dma_wait3A_261 = tpu.memref_slice %arg4[%sub3A_32] : memref<65536xf32, #tpu.memory_space<vmem>> -> memref<32768xf32, #tpu.memory_space<vmem>>
        tpu.wait_dma2 semaphore(%arg9 : memref<!tpu.dma_semaphore, #tpu.memory_space<semaphore_mem>>) src(%dma_wait3A_261 : memref<32768xf32, #tpu.memory_space<vmem>>) dst(%dma_wait3A_260 : memref<32768xf32, #tpu.memory_space<hbm>>)
      } else {
      }
      %lt3A = arith.constant 3 : i32
      %lt3A_120 = arith.cmpi slt, %scan3A_25, %lt3A : i32
      %convert_element_type3A_121 = arith.extui %lt3A_120 : i1 to i32
      %cond3A_122 = arith.constant 0 : i32
      %cond3A_123 = arith.cmpi ne, %convert_element_type3A_121, %cond3A_122 : i32
      scf.if %cond3A_123 {
        %add3A_252 = arith.constant 1 : i32
        %add3A_253 = arith.addi %add3A_27, %add3A_252 : i32
        %dma_start3A_254 = tpu.memref_slice %arg4[%sub3A_32] : memref<65536xf32, #tpu.memory_space<vmem>> -> memref<32768xf32, #tpu.memory_space<vmem>>
        %dma_start3A_255 = arith.constant 0 : i32
        %dma_start3A_256 = tpu.memref_slice %arg2[%add3A_253, %dma_start3A_255] : memref<128x32768xf32, #tpu.memory_space<hbm>> -> memref<1x32768xf32, #tpu.memory_space<hbm>>
        %dma_start3A_257 = tpu.memref_squeeze %dma_start3A_256 : memref<1x32768xf32, #tpu.memory_space<hbm>> -> memref<32768xf32, #tpu.memory_space<hbm>>
        %dma_start3A_258 = tpu.memref_slice %arg4[%sub3A_32] : memref<65536xf32, #tpu.memory_space<vmem>> -> memref<32768xf32, #tpu.memory_space<vmem>>
        %dma_start3A_259 = arith.constant 0 : i32
        %dma_start3A_260 = tpu.memref_slice %arg2[%add3A_253, %dma_start3A_259] : memref<128x32768xf32, #tpu.memory_space<hbm>> -> memref<1x32768xf32, #tpu.memory_space<hbm>>
        %dma_start3A_261 = tpu.memref_squeeze %dma_start3A_260 : memref<1x32768xf32, #tpu.memory_space<hbm>> -> memref<32768xf32, #tpu.memory_space<hbm>>
        tpu.enqueue_dma source(%dma_start3A_261 : memref<32768xf32, #tpu.memory_space<hbm>>) target(%dma_start3A_258 : memref<32768xf32, #tpu.memory_space<vmem>>) target_semaphore(%arg8 : memref<!tpu.dma_semaphore, #tpu.memory_space<semaphore_mem>>)
      } else {
      }
      %parallel_loop3A_124 = arith.constant 0 : i32
      %parallel_loop3A_125 = arith.constant 128 : i32
      %parallel_loop3A_126 = arith.constant 1 : i32
      scf.for %parallel_loop3A_252 = %parallel_loop3A_124 to %parallel_loop3A_125 step %parallel_loop3A_126  : i32 {
        %parallel_loop3A_253 = arith.constant 0 : i32
        %parallel_loop3A_254 = vector.broadcast %parallel_loop3A_253 : i32 to vector<16xi32>
        %parallel_loop3A_255 = arith.constant 16 : i32
        %parallel_loop3A_256 = arith.muli %parallel_loop3A_252, %parallel_loop3A_255 : i32
        %parallel_loop3A_257 = arith.index_cast %parallel_loop3A_256 : i32 to index
        %parallel_loop3A_258 = tpu.vector_load %arg5[%parallel_loop3A_257] {strides = array<i32>} : memref<2048xi32, #tpu.memory_space<vmem>>, vector<16xi32>,
        tpu.vector_store %arg5[%parallel_loop3A_257], %parallel_loop3A_254 {strides = array<i32>} : memref<2048xi32, #tpu.memory_space<vmem>>, vector<16xi32>,
      } {sc.loop_unroll_factor = 8 : i64, sc.parallel_access}
      %parallel_loop3A_127 = arith.constant 0 : i32
      %parallel_loop3A_128 = arith.constant 8 : i32
      %parallel_loop3A_129 = arith.constant 1 : i32
      scf.for %parallel_loop3A_252 = %parallel_loop3A_127 to %parallel_loop3A_128 step %parallel_loop3A_129  : i32 {
        %parallel_loop3A_253 = arith.constant 0 : i32
        %parallel_loop3A_254 = vector.broadcast %parallel_loop3A_253 : i32 to vector<16xi32>
        %parallel_loop3A_255 = arith.constant 16 : i32
        %parallel_loop3A_256 = arith.muli %parallel_loop3A_252, %parallel_loop3A_255 : i32
        %parallel_loop3A_257 = arith.index_cast %parallel_loop3A_256 : i32 to index
        %parallel_loop3A_258 = tpu.vector_load %arg7[%parallel_loop3A_257] {strides = array<i32>} : memref<128xi32, #tpu.memory_space<vmem>>, vector<16xi32>,
        tpu.vector_store %arg7[%parallel_loop3A_257], %parallel_loop3A_254 {strides = array<i32>} : memref<128xi32, #tpu.memory_space<vmem>>, vector<16xi32>,
      } {sc.loop_unroll_factor = 8 : i64, sc.parallel_access}
      %parallel_loop3A_130 = arith.constant 0 : i32
      %parallel_loop3A_131 = arith.constant 1 : i32
      scf.for %parallel_loop3A_252 = %parallel_loop3A_130 to %shift_right_logical3A_114 step %parallel_loop3A_131  : i32 {
        %parallel_loop3A_253 = arith.constant 16 : i32
        %parallel_loop3A_254 = arith.muli %parallel_loop3A_252, %parallel_loop3A_253 : i32
        %parallel_loop3A_255 = arith.index_cast %parallel_loop3A_254 : i32 to index
        %parallel_loop3A_256 = tpu.vector_load %arg6[%parallel_loop3A_255] {strides = array<i32>} : memref<32768xi32, #tpu.memory_space<vmem>>, vector<16xi32>,
        %parallel_loop3A_257 = arith.constant 10 : i32
        %parallel_loop3A_258 = vector.broadcast %parallel_loop3A_257 : i32 to vector<16xi32>
        %parallel_loop3A_259 = arith.shrui %parallel_loop3A_256, %parallel_loop3A_258 : vector<16xi32>
        %parallel_loop3A_260 = arith.constant 2047 : i32
        %parallel_loop3A_261 = vector.broadcast %parallel_loop3A_260 : i32 to vector<16xi32>
        %parallel_loop3A_262 = arith.andi %parallel_loop3A_259, %parallel_loop3A_261 : vector<16xi32>
        %parallel_loop3A_263 = arith.constant 16 : i32
        %parallel_loop3A_264 = arith.muli %parallel_loop3A_252, %parallel_loop3A_263 : i32
        %parallel_loop3A_265 = vector.broadcast %parallel_loop3A_264 : i32 to vector<16xi32>
        %parallel_loop3A_266 = arith.addi %parallel_loop3A_265, %iota3A_98 : vector<16xi32>
        %parallel_loop3A_267 = arith.cmpi slt, %parallel_loop3A_266, %parallel_loop3A_104 : vector<16xi32>
        tpu.vector_store_idx %arg5[%parallel_loop3A_262], %broadcast_in_dim3A_3 masked %parallel_loop3A_267 {add = true} : memref<2048xi32, #tpu.memory_space<vmem>>[vector<16xi32>], vector<16xi32>, vector<16xi1>
        %parallel_loop3A_268 = arith.constant 4 : i32
        %parallel_loop3A_269 = vector.broadcast %parallel_loop3A_268 : i32 to vector<16xi32>
        %parallel_loop3A_270 = arith.shrui %parallel_loop3A_262, %parallel_loop3A_269 : vector<16xi32>
        tpu.vector_store_idx %arg7[%parallel_loop3A_270], %broadcast_in_dim3A_3 masked %parallel_loop3A_267 {add = true} : memref<128xi32, #tpu.memory_space<vmem>>[vector<16xi32>], vector<16xi32>, vector<16xi1>
      } {sc.loop_unroll_factor = 1 : i64, sc.parallel_access}
      %parallel_loop3A_132 = arith.constant 0 : i32
      %parallel_loop3A_133 = arith.constant 8 : i32
      %parallel_loop3A_134 = arith.constant 1 : i32
      %parallel_loop3A_135 = arith.constant false
      %parallel_loop3A_136 = arith.constant 0 : i32
      %parallel_loop3A_137 = arith.constant 0 : i32
      %parallel_loop3A_138 = arith.constant 0 : i32
      %parallel_loop3A_139:4 = scf.for %parallel_loop3A_252 = %parallel_loop3A_132 to %parallel_loop3A_133 step %parallel_loop3A_134 iter_args(%parallel_loop3A_253 = %parallel_loop3A_135, %parallel_loop3A_254 = %parallel_loop3A_136, %parallel_loop3A_255 = %parallel_loop3A_137, %parallel_loop3A_256 = %parallel_loop3A_138) -> (i1, i32, i32, i32)  : i32 {
        %parallel_loop3A_257 = arith.constant 7 : i32
        %parallel_loop3A_258 = arith.subi %parallel_loop3A_257, %parallel_loop3A_252 : i32
        %parallel_loop3A_259 = arith.constant 16 : i32
        %parallel_loop3A_260 = arith.muli %parallel_loop3A_258, %parallel_loop3A_259 : i32
        %parallel_loop3A_261 = arith.index_cast %parallel_loop3A_260 : i32 to index
        %parallel_loop3A_262 = tpu.vector_load %arg7[%parallel_loop3A_261] {strides = array<i32>} : memref<128xi32, #tpu.memory_space<vmem>>, vector<16xi32>,
        %parallel_loop3A_263 = tpu.iota {dimensions = array<i32: 0>} : vector<16xi32>
        %parallel_loop3A_264 = arith.constant true
        %parallel_loop3A_265 = vector.broadcast %parallel_loop3A_264 : i1 to vector<16xi1>
        %parallel_loop3A_266 = tpu.scan <sum>, %parallel_loop3A_262 masked %parallel_loop3A_265 : vector<16xi32>, vector<16xi1> -> vector<16xi32>
        %parallel_loop3A_267 = arith.constant true
        %parallel_loop3A_268 = vector.broadcast %parallel_loop3A_267 : i1 to vector<16xi1>
        %parallel_loop3A_269 = tpu.scan <sum>, %parallel_loop3A_262 masked %parallel_loop3A_268 : vector<16xi32>, vector<16xi1> -> vector<16xi32>
        %parallel_loop3A_270 = vector.extract %parallel_loop3A_269[15] : i32 from vector<16xi32>
        %parallel_loop3A_271 = arith.addi %parallel_loop3A_256, %parallel_loop3A_270 : i32
        %parallel_loop3A_272 = vector.broadcast %parallel_loop3A_271 : i32 to vector<16xi32>
        %parallel_loop3A_273 = arith.subi %parallel_loop3A_272, %parallel_loop3A_266 : vector<16xi32>
        %parallel_loop3A_274 = arith.addi %parallel_loop3A_273, %parallel_loop3A_262 : vector<16xi32>
        %parallel_loop3A_275 = vector.broadcast %sub3A_97 : i32 to vector<16xi32>
        %parallel_loop3A_276 = arith.cmpi sge, %parallel_loop3A_274, %parallel_loop3A_275 : vector<16xi32>
        %parallel_loop3A_277 = arith.extui %parallel_loop3A_276 : vector<16xi1> to vector<16xi32>
        %parallel_loop3A_278 = arith.constant true
        %parallel_loop3A_279 = vector.broadcast %parallel_loop3A_278 : i1 to vector<16xi1>
        %parallel_loop3A_280 = tpu.scan <sum>, %parallel_loop3A_277 masked %parallel_loop3A_279 : vector<16xi32>, vector<16xi1> -> vector<16xi32>
        %parallel_loop3A_281 = vector.extract %parallel_loop3A_280[15] : i32 from vector<16xi32>
        %parallel_loop3A_282 = arith.constant 1 : i32
        %parallel_loop3A_283 = arith.subi %parallel_loop3A_281, %parallel_loop3A_282 : i32
        %parallel_loop3A_284 = vector.broadcast %parallel_loop3A_283 : i32 to vector<16xi32>
        %parallel_loop3A_285 = arith.cmpi eq, %parallel_loop3A_263, %parallel_loop3A_284 : vector<16xi32>
        %parallel_loop3A_286 = arith.constant 0 : i32
        %parallel_loop3A_287 = vector.broadcast %parallel_loop3A_286 : i32 to vector<16xi32>
        %parallel_loop3A_288 = arith.select %parallel_loop3A_285, %parallel_loop3A_273, %parallel_loop3A_287 : vector<16xi1>, vector<16xi32>
        %parallel_loop3A_289 = arith.constant true
        %parallel_loop3A_290 = vector.broadcast %parallel_loop3A_289 : i1 to vector<16xi1>
        %parallel_loop3A_291 = tpu.scan <sum>, %parallel_loop3A_288 masked %parallel_loop3A_290 : vector<16xi32>, vector<16xi1> -> vector<16xi32>
        %parallel_loop3A_292 = vector.extract %parallel_loop3A_291[15] : i32 from vector<16xi32>
        %parallel_loop3A_293 = arith.constant true
        %parallel_loop3A_294 = arith.xori %parallel_loop3A_253, %parallel_loop3A_293 : i1
        %parallel_loop3A_295 = arith.constant 0 : i32
        %parallel_loop3A_296 = arith.cmpi sgt, %parallel_loop3A_281, %parallel_loop3A_295 : i32
        %parallel_loop3A_297 = arith.andi %parallel_loop3A_294, %parallel_loop3A_296 : i1
        %parallel_loop3A_298 = arith.constant 16 : i32
        %parallel_loop3A_299 = arith.muli %parallel_loop3A_258, %parallel_loop3A_298 : i32
        %parallel_loop3A_300 = arith.addi %parallel_loop3A_299, %parallel_loop3A_281 : i32
        %parallel_loop3A_301 = arith.constant 1 : i32
        %parallel_loop3A_302 = arith.subi %parallel_loop3A_300, %parallel_loop3A_301 : i32
        %parallel_loop3A_303 = arith.select %parallel_loop3A_297, %parallel_loop3A_302, %parallel_loop3A_254 : i32
        %parallel_loop3A_304 = arith.select %parallel_loop3A_297, %parallel_loop3A_292, %parallel_loop3A_255 : i32
        %parallel_loop3A_305 = arith.constant 0 : i32
        %parallel_loop3A_306 = arith.cmpi sgt, %parallel_loop3A_281, %parallel_loop3A_305 : i32
        %parallel_loop3A_307 = arith.ori %parallel_loop3A_253, %parallel_loop3A_306 : i1
        %parallel_loop3A_308 = arith.addi %parallel_loop3A_256, %parallel_loop3A_270 : i32
        scf.yield %parallel_loop3A_307, %parallel_loop3A_303, %parallel_loop3A_304, %parallel_loop3A_308 : i1, i32, i32, i32
      } {sc.loop_unroll_factor = 2 : i64, sc.parallel_access}
      %mul3A_140 = arith.constant 16 : i32
      %mul3A_141 = arith.muli %parallel_loop3A_139#1, %mul3A_140 : i32
      %get3A_142 = arith.index_cast %mul3A_141 : i32 to index
      %get3A_143 = tpu.vector_load %arg5[%get3A_142] {strides = array<i32>} : memref<2048xi32, #tpu.memory_space<vmem>>, vector<16xi32>,
      %iota3A_144 = tpu.iota {dimensions = array<i32: 0>} : vector<16xi32>
      %broadcast_in_dim3A_145 = arith.constant true
      %broadcast_in_dim3A_146 = vector.broadcast %broadcast_in_dim3A_145 : i1 to vector<16xi1>
      %masked_cumsum3A_147 = tpu.scan <sum>, %get3A_143 masked %broadcast_in_dim3A_146 : vector<16xi32>, vector<16xi1> -> vector<16xi32>
      %reduce_sum3A_148 = arith.constant true
      %reduce_sum3A_149 = vector.broadcast %reduce_sum3A_148 : i1 to vector<16xi1>
      %reduce_sum3A_150 = tpu.scan <sum>, %get3A_143 masked %reduce_sum3A_149 : vector<16xi32>, vector<16xi1> -> vector<16xi32>
      %reduce_sum3A_151 = vector.extract %reduce_sum3A_150[15] : i32 from vector<16xi32>
      %add3A_152 = arith.addi %parallel_loop3A_139#2, %reduce_sum3A_151 : i32
      %sub3A_153 = vector.broadcast %add3A_152 : i32 to vector<16xi32>
      %sub3A_154 = arith.subi %sub3A_153, %masked_cumsum3A_147 : vector<16xi32>
      %add3A_155 = arith.addi %sub3A_154, %get3A_143 : vector<16xi32>
      %ge3A_156 = vector.broadcast %sub3A_97 : i32 to vector<16xi32>
      %ge3A_157 = arith.cmpi sge, %add3A_155, %ge3A_156 : vector<16xi32>
      %convert_element_type3A_158 = arith.extui %ge3A_157 : vector<16xi1> to vector<16xi32>
      %reduce_sum3A_159 = arith.constant true
      %reduce_sum3A_160 = vector.broadcast %reduce_sum3A_159 : i1 to vector<16xi1>
      %reduce_sum3A_161 = tpu.scan <sum>, %convert_element_type3A_158 masked %reduce_sum3A_160 : vector<16xi32>, vector<16xi1> -> vector<16xi32>
      %reduce_sum3A_162 = vector.extract %reduce_sum3A_161[15] : i32 from vector<16xi32>
      %sub3A_163 = arith.constant 1 : i32
      %sub3A_164 = arith.subi %reduce_sum3A_162, %sub3A_163 : i32
      %eq3A_165 = vector.broadcast %sub3A_164 : i32 to vector<16xi32>
      %eq3A_166 = arith.cmpi eq, %iota3A_144, %eq3A_165 : vector<16xi32>
      %jit3A_167 = arith.constant 0 : i32
      %broadcast_in_dim3A_168 = vector.broadcast %jit3A_167 : i32 to vector<16xi32>
      %select_n3A_169 = arith.select %eq3A_166, %sub3A_154, %broadcast_in_dim3A_168 : vector<16xi1>, vector<16xi32>
      %reduce_sum3A_170 = arith.constant true
      %reduce_sum3A_171 = vector.broadcast %reduce_sum3A_170 : i1 to vector<16xi1>
      %reduce_sum3A_172 = tpu.scan <sum>, %select_n3A_169 masked %reduce_sum3A_171 : vector<16xi32>, vector<16xi1> -> vector<16xi32>
      %reduce_sum3A_173 = vector.extract %reduce_sum3A_172[15] : i32 from vector<16xi32>
      %mul3A_174 = arith.constant 16 : i32
      %mul3A_175 = arith.muli %parallel_loop3A_139#1, %mul3A_174 : i32
      %add3A_176 = arith.addi %mul3A_175, %reduce_sum3A_162 : i32
      %sub3A_177 = arith.constant 1 : i32
      %sub3A_178 = arith.subi %add3A_176, %sub3A_177 : i32
      %sub3A_179 = arith.subi %sub3A_97, %reduce_sum3A_173 : i32
      %parallel_loop3A_180 = arith.constant 0 : i32
      %parallel_loop3A_181 = arith.constant 64 : i32
      %parallel_loop3A_182 = arith.constant 1 : i32
      scf.for %parallel_loop3A_252 = %parallel_loop3A_180 to %parallel_loop3A_181 step %parallel_loop3A_182  : i32 {
        %parallel_loop3A_253 = arith.constant 0 : i32
        %parallel_loop3A_254 = vector.broadcast %parallel_loop3A_253 : i32 to vector<16xi32>
        %parallel_loop3A_255 = arith.constant 16 : i32
        %parallel_loop3A_256 = arith.muli %parallel_loop3A_252, %parallel_loop3A_255 : i32
        %parallel_loop3A_257 = arith.index_cast %parallel_loop3A_256 : i32 to index
        %parallel_loop3A_258 = tpu.vector_load %arg5[%parallel_loop3A_257] {strides = array<i32>} : memref<2048xi32, #tpu.memory_space<vmem>>, vector<16xi32>,
        tpu.vector_store %arg5[%parallel_loop3A_257], %parallel_loop3A_254 {strides = array<i32>} : memref<2048xi32, #tpu.memory_space<vmem>>, vector<16xi32>,
      } {sc.loop_unroll_factor = 8 : i64, sc.parallel_access}
      %parallel_loop3A_183 = arith.constant 0 : i32
      %parallel_loop3A_184 = arith.constant 4 : i32
      %parallel_loop3A_185 = arith.constant 1 : i32
      scf.for %parallel_loop3A_252 = %parallel_loop3A_183 to %parallel_loop3A_184 step %parallel_loop3A_185  : i32 {
        %parallel_loop3A_253 = arith.constant 0 : i32
        %parallel_loop3A_254 = vector.broadcast %parallel_loop3A_253 : i32 to vector<16xi32>
        %parallel_loop3A_255 = arith.constant 16 : i32
        %parallel_loop3A_256 = arith.muli %parallel_loop3A_252, %parallel_loop3A_255 : i32
        %parallel_loop3A_257 = arith.index_cast %parallel_loop3A_256 : i32 to index
        %parallel_loop3A_258 = tpu.vector_load %arg7[%parallel_loop3A_257] {strides = array<i32>} : memref<128xi32, #tpu.memory_space<vmem>>, vector<16xi32>,
        tpu.vector_store %arg7[%parallel_loop3A_257], %parallel_loop3A_254 {strides = array<i32>} : memref<128xi32, #tpu.memory_space<vmem>>, vector<16xi32>,
      } {sc.loop_unroll_factor = 8 : i64, sc.parallel_access}
      %mul3A_186 = arith.constant 2048 : i32
      %mul3A_187 = arith.muli %sub3A_95, %mul3A_186 : i32
      %add3A_188 = arith.addi %mul3A_187, %sub3A_178 : i32
      %parallel_loop3A_189 = arith.constant 0 : i32
      %parallel_loop3A_190 = arith.constant 1 : i32
      scf.for %parallel_loop3A_252 = %parallel_loop3A_189 to %shift_right_logical3A_114 step %parallel_loop3A_190  : i32 {
        %parallel_loop3A_253 = arith.constant 16 : i32
        %parallel_loop3A_254 = arith.muli %parallel_loop3A_252, %parallel_loop3A_253 : i32
        %parallel_loop3A_255 = arith.index_cast %parallel_loop3A_254 : i32 to index
        %parallel_loop3A_256 = tpu.vector_load %arg6[%parallel_loop3A_255] {strides = array<i32>} : memref<32768xi32, #tpu.memory_space<vmem>>, vector<16xi32>,
        %parallel_loop3A_257 = arith.constant 10 : i32
        %parallel_loop3A_258 = vector.broadcast %parallel_loop3A_257 : i32 to vector<16xi32>
        %parallel_loop3A_259 = arith.shrui %parallel_loop3A_256, %parallel_loop3A_258 : vector<16xi32>
        %parallel_loop3A_260 = arith.constant 1023 : i32
        %parallel_loop3A_261 = vector.broadcast %parallel_loop3A_260 : i32 to vector<16xi32>
        %parallel_loop3A_262 = arith.andi %parallel_loop3A_256, %parallel_loop3A_261 : vector<16xi32>
        %parallel_loop3A_263 = vector.broadcast %add3A_188 : i32 to vector<16xi32>
        %parallel_loop3A_264 = arith.cmpi eq, %parallel_loop3A_259, %parallel_loop3A_263 : vector<16xi32>
        %parallel_loop3A_265 = arith.constant 16 : i32
        %parallel_loop3A_266 = arith.muli %parallel_loop3A_252, %parallel_loop3A_265 : i32
        %parallel_loop3A_267 = vector.broadcast %parallel_loop3A_266 : i32 to vector<16xi32>
        %parallel_loop3A_268 = arith.addi %parallel_loop3A_267, %iota3A_98 : vector<16xi32>
        %parallel_loop3A_269 = arith.cmpi slt, %parallel_loop3A_268, %parallel_loop3A_104 : vector<16xi32>
        %parallel_loop3A_270 = arith.andi %parallel_loop3A_264, %parallel_loop3A_269 : vector<16xi1>
        tpu.vector_store_idx %arg5[%parallel_loop3A_262], %broadcast_in_dim3A_3 masked %parallel_loop3A_270 {add = true} : memref<2048xi32, #tpu.memory_space<vmem>>[vector<16xi32>], vector<16xi32>, vector<16xi1>
        %parallel_loop3A_271 = arith.constant 4 : i32
        %parallel_loop3A_272 = vector.broadcast %parallel_loop3A_271 : i32 to vector<16xi32>
        %parallel_loop3A_273 = arith.shrui %parallel_loop3A_262, %parallel_loop3A_272 : vector<16xi32>
        tpu.vector_store_idx %arg7[%parallel_loop3A_273], %broadcast_in_dim3A_3 masked %parallel_loop3A_270 {add = true} : memref<128xi32, #tpu.memory_space<vmem>>[vector<16xi32>], vector<16xi32>, vector<16xi1>
      } {sc.loop_unroll_factor = 1 : i64, sc.parallel_access}
      %parallel_loop3A_191 = arith.constant 0 : i32
      %parallel_loop3A_192 = arith.constant 4 : i32
      %parallel_loop3A_193 = arith.constant 1 : i32
      %parallel_loop3A_194 = arith.constant false
      %parallel_loop3A_195 = arith.constant 0 : i32
      %parallel_loop3A_196 = arith.constant 0 : i32
      %parallel_loop3A_197 = arith.constant 0 : i32
      %parallel_loop3A_198:4 = scf.for %parallel_loop3A_252 = %parallel_loop3A_191 to %parallel_loop3A_192 step %parallel_loop3A_193 iter_args(%parallel_loop3A_253 = %parallel_loop3A_194, %parallel_loop3A_254 = %parallel_loop3A_195, %parallel_loop3A_255 = %parallel_loop3A_196, %parallel_loop3A_256 = %parallel_loop3A_197) -> (i1, i32, i32, i32)  : i32 {
        %parallel_loop3A_257 = arith.constant 3 : i32
        %parallel_loop3A_258 = arith.subi %parallel_loop3A_257, %parallel_loop3A_252 : i32
        %parallel_loop3A_259 = arith.constant 16 : i32
        %parallel_loop3A_260 = arith.muli %parallel_loop3A_258, %parallel_loop3A_259 : i32
        %parallel_loop3A_261 = arith.index_cast %parallel_loop3A_260 : i32 to index
        %parallel_loop3A_262 = tpu.vector_load %arg7[%parallel_loop3A_261] {strides = array<i32>} : memref<128xi32, #tpu.memory_space<vmem>>, vector<16xi32>,
        %parallel_loop3A_263 = tpu.iota {dimensions = array<i32: 0>} : vector<16xi32>
        %parallel_loop3A_264 = arith.constant true
        %parallel_loop3A_265 = vector.broadcast %parallel_loop3A_264 : i1 to vector<16xi1>
        %parallel_loop3A_266 = tpu.scan <sum>, %parallel_loop3A_262 masked %parallel_loop3A_265 : vector<16xi32>, vector<16xi1> -> vector<16xi32>
        %parallel_loop3A_267 = arith.constant true
        %parallel_loop3A_268 = vector.broadcast %parallel_loop3A_267 : i1 to vector<16xi1>
        %parallel_loop3A_269 = tpu.scan <sum>, %parallel_loop3A_262 masked %parallel_loop3A_268 : vector<16xi32>, vector<16xi1> -> vector<16xi32>
        %parallel_loop3A_270 = vector.extract %parallel_loop3A_269[15] : i32 from vector<16xi32>
        %parallel_loop3A_271 = arith.addi %parallel_loop3A_256, %parallel_loop3A_270 : i32
        %parallel_loop3A_272 = vector.broadcast %parallel_loop3A_271 : i32 to vector<16xi32>
        %parallel_loop3A_273 = arith.subi %parallel_loop3A_272, %parallel_loop3A_266 : vector<16xi32>
        %parallel_loop3A_274 = arith.addi %parallel_loop3A_273, %parallel_loop3A_262 : vector<16xi32>
        %parallel_loop3A_275 = vector.broadcast %sub3A_179 : i32 to vector<16xi32>
        %parallel_loop3A_276 = arith.cmpi sge, %parallel_loop3A_274, %parallel_loop3A_275 : vector<16xi32>
        %parallel_loop3A_277 = arith.extui %parallel_loop3A_276 : vector<16xi1> to vector<16xi32>
        %parallel_loop3A_278 = arith.constant true
        %parallel_loop3A_279 = vector.broadcast %parallel_loop3A_278 : i1 to vector<16xi1>
        %parallel_loop3A_280 = tpu.scan <sum>, %parallel_loop3A_277 masked %parallel_loop3A_279 : vector<16xi32>, vector<16xi1> -> vector<16xi32>
        %parallel_loop3A_281 = vector.extract %parallel_loop3A_280[15] : i32 from vector<16xi32>
        %parallel_loop3A_282 = arith.constant 1 : i32
        %parallel_loop3A_283 = arith.subi %parallel_loop3A_281, %parallel_loop3A_282 : i32
        %parallel_loop3A_284 = vector.broadcast %parallel_loop3A_283 : i32 to vector<16xi32>
        %parallel_loop3A_285 = arith.cmpi eq, %parallel_loop3A_263, %parallel_loop3A_284 : vector<16xi32>
        %parallel_loop3A_286 = arith.constant 0 : i32
        %parallel_loop3A_287 = vector.broadcast %parallel_loop3A_286 : i32 to vector<16xi32>
        %parallel_loop3A_288 = arith.select %parallel_loop3A_285, %parallel_loop3A_273, %parallel_loop3A_287 : vector<16xi1>, vector<16xi32>
        %parallel_loop3A_289 = arith.constant true
        %parallel_loop3A_290 = vector.broadcast %parallel_loop3A_289 : i1 to vector<16xi1>
        %parallel_loop3A_291 = tpu.scan <sum>, %parallel_loop3A_288 masked %parallel_loop3A_290 : vector<16xi32>, vector<16xi1> -> vector<16xi32>
        %parallel_loop3A_292 = vector.extract %parallel_loop3A_291[15] : i32 from vector<16xi32>
        %parallel_loop3A_293 = arith.constant true
        %parallel_loop3A_294 = arith.xori %parallel_loop3A_253, %parallel_loop3A_293 : i1
        %parallel_loop3A_295 = arith.constant 0 : i32
        %parallel_loop3A_296 = arith.cmpi sgt, %parallel_loop3A_281, %parallel_loop3A_295 : i32
        %parallel_loop3A_297 = arith.andi %parallel_loop3A_294, %parallel_loop3A_296 : i1
        %parallel_loop3A_298 = arith.constant 16 : i32
        %parallel_loop3A_299 = arith.muli %parallel_loop3A_258, %parallel_loop3A_298 : i32
        %parallel_loop3A_300 = arith.addi %parallel_loop3A_299, %parallel_loop3A_281 : i32
        %parallel_loop3A_301 = arith.constant 1 : i32
        %parallel_loop3A_302 = arith.subi %parallel_loop3A_300, %parallel_loop3A_301 : i32
        %parallel_loop3A_303 = arith.select %parallel_loop3A_297, %parallel_loop3A_302, %parallel_loop3A_254 : i32
        %parallel_loop3A_304 = arith.select %parallel_loop3A_297, %parallel_loop3A_292, %parallel_loop3A_255 : i32
        %parallel_loop3A_305 = arith.constant 0 : i32
        %parallel_loop3A_306 = arith.cmpi sgt, %parallel_loop3A_281, %parallel_loop3A_305 : i32
        %parallel_loop3A_307 = arith.ori %parallel_loop3A_253, %parallel_loop3A_306 : i1
        %parallel_loop3A_308 = arith.addi %parallel_loop3A_256, %parallel_loop3A_270 : i32
        scf.yield %parallel_loop3A_307, %parallel_loop3A_303, %parallel_loop3A_304, %parallel_loop3A_308 : i1, i32, i32, i32
      } {sc.loop_unroll_factor = 2 : i64, sc.parallel_access}
      %mul3A_199 = arith.constant 16 : i32
      %mul3A_200 = arith.muli %parallel_loop3A_198#1, %mul3A_199 : i32
      %get3A_201 = arith.index_cast %mul3A_200 : i32 to index
      %get3A_202 = tpu.vector_load %arg5[%get3A_201] {strides = array<i32>} : memref<2048xi32, #tpu.memory_space<vmem>>, vector<16xi32>,
      %iota3A_203 = tpu.iota {dimensions = array<i32: 0>} : vector<16xi32>
      %broadcast_in_dim3A_204 = arith.constant true
      %broadcast_in_dim3A_205 = vector.broadcast %broadcast_in_dim3A_204 : i1 to vector<16xi1>
      %masked_cumsum3A_206 = tpu.scan <sum>, %get3A_202 masked %broadcast_in_dim3A_205 : vector<16xi32>, vector<16xi1> -> vector<16xi32>
      %reduce_sum3A_207 = arith.constant true
      %reduce_sum3A_208 = vector.broadcast %reduce_sum3A_207 : i1 to vector<16xi1>
      %reduce_sum3A_209 = tpu.scan <sum>, %get3A_202 masked %reduce_sum3A_208 : vector<16xi32>, vector<16xi1> -> vector<16xi32>
      %reduce_sum3A_210 = vector.extract %reduce_sum3A_209[15] : i32 from vector<16xi32>
      %add3A_211 = arith.addi %parallel_loop3A_198#2, %reduce_sum3A_210 : i32
      %sub3A_212 = vector.broadcast %add3A_211 : i32 to vector<16xi32>
      %sub3A_213 = arith.subi %sub3A_212, %masked_cumsum3A_206 : vector<16xi32>
      %add3A_214 = arith.addi %sub3A_213, %get3A_202 : vector<16xi32>
      %ge3A_215 = vector.broadcast %sub3A_179 : i32 to vector<16xi32>
      %ge3A_216 = arith.cmpi sge, %add3A_214, %ge3A_215 : vector<16xi32>
      %convert_element_type3A_217 = arith.extui %ge3A_216 : vector<16xi1> to vector<16xi32>
      %reduce_sum3A_218 = arith.constant true
      %reduce_sum3A_219 = vector.broadcast %reduce_sum3A_218 : i1 to vector<16xi1>
      %reduce_sum3A_220 = tpu.scan <sum>, %convert_element_type3A_217 masked %reduce_sum3A_219 : vector<16xi32>, vector<16xi1> -> vector<16xi32>
      %reduce_sum3A_221 = vector.extract %reduce_sum3A_220[15] : i32 from vector<16xi32>
      %sub3A_222 = arith.constant 1 : i32
      %sub3A_223 = arith.subi %reduce_sum3A_221, %sub3A_222 : i32
      %eq3A_224 = vector.broadcast %sub3A_223 : i32 to vector<16xi32>
      %eq3A_225 = arith.cmpi eq, %iota3A_203, %eq3A_224 : vector<16xi32>
      %jit3A_226 = arith.constant 0 : i32
      %broadcast_in_dim3A_227 = vector.broadcast %jit3A_226 : i32 to vector<16xi32>
      %select_n3A_228 = arith.select %eq3A_225, %sub3A_213, %broadcast_in_dim3A_227 : vector<16xi1>, vector<16xi32>
      %reduce_sum3A_229 = arith.constant true
      %reduce_sum3A_230 = vector.broadcast %reduce_sum3A_229 : i1 to vector<16xi1>
      %reduce_sum3A_231 = tpu.scan <sum>, %select_n3A_228 masked %reduce_sum3A_230 : vector<16xi32>, vector<16xi1> -> vector<16xi32>
      %reduce_sum3A_232 = vector.extract %reduce_sum3A_231[15] : i32 from vector<16xi32>
      %mul3A_233 = arith.constant 16 : i32
      %mul3A_234 = arith.muli %parallel_loop3A_198#1, %mul3A_233 : i32
      %add3A_235 = arith.addi %mul3A_234, %reduce_sum3A_221 : i32
      %sub3A_236 = arith.constant 1 : i32
      %sub3A_237 = arith.subi %add3A_235, %sub3A_236 : i32
      %sub3A_238 = arith.subi %sub3A_179, %reduce_sum3A_232 : i32
      %mul3A_239 = arith.constant 2048 : i32
      %mul3A_240 = arith.muli %sub3A_95, %mul3A_239 : i32
      %add3A_241 = arith.addi %mul3A_240, %sub3A_178 : i32
      %mul3A_242 = arith.constant 1024 : i32
      %mul3A_243 = arith.muli %add3A_241, %mul3A_242 : i32
      %add3A_244 = arith.addi %mul3A_243, %sub3A_237 : i32
      %xor3A = arith.constant -2147483648 : i32
      %xor3A_245 = arith.xori %add3A_244, %xor3A : i32
      %ge3A_246 = arith.constant 0 : i32
      %ge3A_247 = arith.cmpi sge, %xor3A_245, %ge3A_246 : i32
      %xor3A_248 = arith.constant 2147483647 : i32
      %xor3A_249 = arith.xori %xor3A_245, %xor3A_248 : i32
      %select_n3A_250 = arith.select %ge3A_247, %xor3A_245, %xor3A_249 : i32
      %broadcast_in_dim3A_251 = vector.broadcast %select_n3A_250 : i32 to vector<16xi32>
      %bitcast3A = vector.bitcast %broadcast_in_dim3A_251 : vector<16xi32> to vector<16xf32>
      scf.yield %bitcast3A : vector<16xf32>
    }
    %scan3A_19 = arith.constant 4 : i32
    %parallel_loop3A = arith.constant 0 : i32
    %parallel_loop3A_20 = arith.constant 2048 : i32
    %parallel_loop3A_21 = arith.constant 1 : i32
    scf.for %parallel_loop3A_25 = %parallel_loop3A to %parallel_loop3A_20 step %parallel_loop3A_21  : i32 {
      %parallel_loop3A_26 = arith.constant 16 : i32
      %parallel_loop3A_27 = arith.muli %parallel_loop3A_25, %parallel_loop3A_26 : i32
      %parallel_loop3A_28 = arith.constant 32768 : i32
      %parallel_loop3A_29 = tpu.memref_slice %arg4[%parallel_loop3A_28] : memref<65536xf32, #tpu.memory_space<vmem>> -> memref<32768xf32, #tpu.memory_space<vmem>>
      %parallel_loop3A_30 = arith.index_cast %parallel_loop3A_27 : i32 to index
      %parallel_loop3A_31 = tpu.vector_load %parallel_loop3A_29[%parallel_loop3A_30] {strides = array<i32>} : memref<32768xf32, #tpu.memory_space<vmem>>, vector<16xf32>,
      %parallel_loop3A_32 = arith.cmpf oge, %parallel_loop3A_31, %scan3A_18 : vector<16xf32>
      %parallel_loop3A_33 = arith.constant 0.000000e+00 : f32
      %parallel_loop3A_34 = vector.broadcast %parallel_loop3A_33 : f32 to vector<16xf32>
      %parallel_loop3A_35 = arith.select %parallel_loop3A_32, %parallel_loop3A_31, %parallel_loop3A_34 : vector<16xi1>, vector<16xf32>
      %parallel_loop3A_36 = arith.constant 16 : i32
      %parallel_loop3A_37 = arith.muli %parallel_loop3A_25, %parallel_loop3A_36 : i32
      %parallel_loop3A_38 = arith.constant 32768 : i32
      %parallel_loop3A_39 = tpu.memref_slice %arg4[%parallel_loop3A_38] : memref<65536xf32, #tpu.memory_space<vmem>> -> memref<32768xf32, #tpu.memory_space<vmem>>
      %parallel_loop3A_40 = arith.index_cast %parallel_loop3A_37 : i32 to index
      %parallel_loop3A_41 = tpu.vector_load %parallel_loop3A_39[%parallel_loop3A_40] {strides = array<i32>} : memref<32768xf32, #tpu.memory_space<vmem>>, vector<16xf32>,
      tpu.vector_store %parallel_loop3A_39[%parallel_loop3A_40], %parallel_loop3A_35 {strides = array<i32>} : memref<32768xf32, #tpu.memory_space<vmem>>, vector<16xf32>,
    } {sc.loop_unroll_factor = 8 : i64, sc.parallel_access}
    %add3A_22 = arith.constant 4 : i32
    %add3A_23 = arith.addi %mul3A_2, %add3A_22 : i32
    %sub3A = arith.constant 1 : i32
    %sub3A_24 = arith.subi %add3A_23, %sub3A : i32
    "tpu.region"() ({
      %run_scoped3A = tpu.sem_alloc : memref<!tpu.dma_semaphore, #tpu.memory_space<semaphore_mem>>
      %dma_start3A_25 = arith.constant 32768 : i32
      %dma_start3A_26 = tpu.memref_slice %arg4[%dma_start3A_25] : memref<65536xf32, #tpu.memory_space<vmem>> -> memref<32768xf32, #tpu.memory_space<vmem>>
      %dma_start3A_27 = arith.constant 0 : i32
      %dma_start3A_28 = tpu.memref_slice %arg3[%sub3A_24, %dma_start3A_27] : memref<128x32768xf32, #tpu.memory_space<hbm>> -> memref<1x32768xf32, #tpu.memory_space<hbm>>
      %dma_start3A_29 = tpu.memref_squeeze %dma_start3A_28 : memref<1x32768xf32, #tpu.memory_space<hbm>> -> memref<32768xf32, #tpu.memory_space<hbm>>
      %dma_start3A_30 = arith.constant 0 : i32
      %dma_start3A_31 = tpu.memref_slice %arg3[%sub3A_24, %dma_start3A_30] : memref<128x32768xf32, #tpu.memory_space<hbm>> -> memref<1x32768xf32, #tpu.memory_space<hbm>>
      %dma_start3A_32 = tpu.memref_squeeze %dma_start3A_31 : memref<1x32768xf32, #tpu.memory_space<hbm>> -> memref<32768xf32, #tpu.memory_space<hbm>>
      %dma_start3A_33 = arith.constant 32768 : i32
      %dma_start3A_34 = tpu.memref_slice %arg4[%dma_start3A_33] : memref<65536xf32, #tpu.memory_space<vmem>> -> memref<32768xf32, #tpu.memory_space<vmem>>
      tpu.enqueue_dma source(%dma_start3A_34 : memref<32768xf32, #tpu.memory_space<vmem>>) target(%dma_start3A_32 : memref<32768xf32, #tpu.memory_space<hbm>>) target_semaphore(%run_scoped3A : memref<!tpu.dma_semaphore, #tpu.memory_space<semaphore_mem>>)
      %dma_wait3A = arith.constant 32768 : i32
      %dma_wait3A_35 = tpu.memref_slice %arg4[%dma_wait3A] : memref<65536xf32, #tpu.memory_space<vmem>> -> memref<32768xf32, #tpu.memory_space<vmem>>
      %dma_wait3A_36 = arith.constant 0 : i32
      %dma_wait3A_37 = tpu.memref_slice %arg3[%sub3A_24, %dma_wait3A_36] : memref<128x32768xf32, #tpu.memory_space<hbm>> -> memref<1x32768xf32, #tpu.memory_space<hbm>>
      %dma_wait3A_38 = tpu.memref_squeeze %dma_wait3A_37 : memref<1x32768xf32, #tpu.memory_space<hbm>> -> memref<32768xf32, #tpu.memory_space<hbm>>
      %dma_wait3A_39 = arith.constant 0 : i32
      %dma_wait3A_40 = tpu.memref_slice %arg3[%sub3A_24, %dma_wait3A_39] : memref<128x32768xf32, #tpu.memory_space<hbm>> -> memref<1x32768xf32, #tpu.memory_space<hbm>>
      %dma_wait3A_41 = tpu.memref_squeeze %dma_wait3A_40 : memref<1x32768xf32, #tpu.memory_space<hbm>> -> memref<32768xf32, #tpu.memory_space<hbm>>
      %dma_wait3A_42 = arith.constant 32768 : i32
      %dma_wait3A_43 = tpu.memref_slice %arg4[%dma_wait3A_42] : memref<65536xf32, #tpu.memory_space<vmem>> -> memref<32768xf32, #tpu.memory_space<vmem>>
      tpu.wait_dma2 semaphore(%run_scoped3A : memref<!tpu.dma_semaphore, #tpu.memory_space<semaphore_mem>>) src(%dma_wait3A_43 : memref<32768xf32, #tpu.memory_space<vmem>>) dst(%dma_wait3A_41 : memref<32768xf32, #tpu.memory_space<hbm>>)
      tpu.yield
    }) : () -> ()
    return
  }
}

</mosaic_0001>

<sc_bundles>
// kernel: kernel.3.cloned.1.call-start
scs
__scs_entry_jumppad:
0x0: {  	(pc) =	sbr.rel $0x88, $3  }
0x1: {  	(tag) =	ssettag $0x0;
	lr =	simm.s32 $0x1  }
0x2: {  	[smem:$0x3FA0] =	sst lr;
	_ =	strace $0xD0000000  }
0x3: {  	_ = 	snop  }
0x4: {  	_ = 	snop  }
0x5: {  	_ = 	snop  }
0x6: {  	_ = 	snop  }
0x7: {  	_ = 	snop  }
__scs_overlays_trampoline_lowered:
0x8: {  	[smem:$0x3FAF] =	sst s0  }
0x9: {  	[smem:$0x3FB0] =	sst s1  }
0xa: {  	[smem:$0x3FB1] =	sst s2  }
0xb: {  	[smem:$0x3FB2] =	sst s3  }
0xc: {  	[smem:$0x3FB3] =	sst s4  }
0xd: {  	[smem:$0x3FB4] =	sst s5  }
0xe: {  	[smem:$0x3FB5] =	sst s6  }
0xf: {  	[smem:$0x3FB6] =	sst s7  }
0x10: {  	[smem:$0x3FB7] =	sst s8  }
0x11: {  	[smem:$0x3FB8] =	sst s9;
	s0 =	simm.s32 @!p0 $0x0  }
0x12: {  	s1 =	sld [smem:$0x3F9E];
	s0 =	simm.s32 @p0 $0x1  }
0x13: {  	[smem:$0x3FB9] =	sst s0;
	s0 =	simm.s32 @!p1 $0x0  }
0x14: {  	s2 =	sld [smem:$0x3F9D];
	s0 =	simm.s32 @p1 $0x1  }
0x15: {  	[smem:$0x3FBA] =	sst s0;
	s0 =	simm.s32 @!p2 $0x0  }
0x16: {  	s3 =	sld [smem:$0x3FDB];
	s0 =	simm.s32 @p2 $0x1  }
0x17: {  	s4 =	simm.s32 $0x1BF5;
	[smem:$0x3FBC] =	sst s0  }
0x18: {  	s0 =	sld [smem:$0x3F9F];
	_ =	swait.ge [sflag:s4], $0x0  }
0x19: {  	s7 =	sld [smem:$0x3FA0]  }
0x1a: {  	s8 =	sadd.s32 $0xFFFFE003, lr  }
0x1b: {  	s9 =	sadd.s32 $0xFFFFFEF7, lr;
	s5 =	simm.s32 $0xFFFFFFFF;
	p2 =	slt.u32 s8, $0xFFFFF086  }
0x1c: {  	p1 =	slt.u32 s9, $0xF7A;
	s5 =	simm.s32 @!p2 $0x0  }
0x1d: {  	s5 =	simm.s32 @p1 $0x1;
	p0 =	seq.s32 s7, s2  }
0x1e: {  	s7 =	smul.u32 @!p0 $0xF7A, s2;
	p2 =	seq.s32 @!p0 s5, $0x0  }
0x1f: {  	s9 =	smul.u32 $0xF7A, s1;
	s8 =	simm.s32 @!p0 $0x1BF5;
	p2 =	por !p2, p0  }
0x20: {  	[sflag:s8] =	ssyncset.s32 @!p0 $0xFFFFF086;
	s6 =	sadd.s32 @!p0 s3, s7;
	s7 =	simm.s32 @!p0 $0x108  }
0x21: {  	s3 =	sadd.s32 s3, s9;
	s6 =	sadd.s32 @!p0 $0x88, s6;
	s7 =	simm.s32 @p2 $0x1082  }
0x22: {  	[simem:s7], [sflag:s8] =	dma.local @!p0 [hbm:s6], $0xF7A  }
0x23: {  	s9 =	sor.u32 $0xD0000000, s2;
	s6 =	simm.s32 $0x108;
	_ =	swait.ge @!p0 [sflag:s8], $0x0  }
0x24: {  	s3 =	sadd.s32 $0x88, s3;
	s6 =	simm.s32 @!p1 $0x1082;
	[sflag:s4] =	ssyncset.s32 $0xFFFFF086  }
0x25: {  	[simem:s6], [sflag:s4] =	dma.local [hbm:s3], $0xF7A  }
0x26: {  	[smem:$0x3FA0] =	sst s1;
	(tag) =	ssettag s2;
	_ =	strace s9  }
0x27: {  	s1 =	sld [smem:$0x3FB0]  }
0x28: {  	s2 =	sld [smem:$0x3FB1]  }
0x29: {  	s4 =	sld [smem:$0x3FB3]  }
0x2a: {  	p0 =	seq.s32 s5, $0x0;
	s5 =	sld [smem:$0x3FB4]  }
0x2b: {  	s6 =	sld [smem:$0x3FB5]  }
0x2c: {  	s7 =	sld [smem:$0x3FB6]  }
0x2d: {  	s3 =	simm.s32 $0x108;
	s8 =	sld [smem:$0x3FB7]  }
0x2e: {  	s3 =	simm.s32 @!p0 $0x1082;
	s9 =	sld [smem:$0x3FB8]  }
0x2f: {  	lr =	sadd.s32 s0, s3;
	s0 =	sld [smem:$0x3FAF]  }
0x30: {  	s3 =	sld [smem:$0x3FB2]  }
0x31: {  	[smem:$0x3FBB] =	sst s10  }
0x32: {  	s10 =	sld [smem:$0x3FB9];
	_ =	sdelay $0x3  }
0x33: {  	p0 =	seq.s32 s10, $0x1;
	s10 =	sld [smem:$0x3FBB];
	_ =	sdelay $0x3  }
0x34: {  	[smem:$0x3FBB] =	sst s10  }
0x35: {  	s10 =	sld [smem:$0x3FBA];
	_ =	sdelay $0x3  }
0x36: {  	p1 =	seq.s32 s10, $0x1;
	s10 =	sld [smem:$0x3FBB];
	_ =	sdelay $0x3  }
0x37: {  	[smem:$0x3FBB] =	sst s10  }
0x38: {  	s10 =	sld [smem:$0x3FBC]  }
0x39: {  	_ = 	snop;
	(pc) =	sbr.ind lr, $3  }
0x3a: {  	_ = 	snop  }
0x3b: {  	_ = 	snop  }
0x3c: {  	p2 =	seq.s32 s10, $0x1;
	s10 =	sld [smem:$0x3FBB]  }
0x3d: {  	_ =	shalt  }
0x3e: {  	_ =	shalt  }
0x3f: {  	_ =	shalt  }
0x40: {  	_ =	shalt  }
0x41: {  	_ =	shalt  }
0x42: {  	_ =	shalt  }
0x43: {  	_ =	shalt  }
0x44: {  	_ =	shalt  }
0x45: {  	_ =	shalt  }
0x46: {  	_ =	shalt  }
0x47: {  	_ =	shalt  }
0x48: {  	_ =	shalt  }
0x49: {  	_ =	shalt  }
0x4a: {  	_ =	shalt  }
0x4b: {  	_ =	shalt  }
0x4c: {  	_ =	shalt  }
0x4d: {  	_ =	shalt  }
0x4e: {  	_ =	shalt  }
0x4f: {  	_ =	shalt  }
0x50: {  	_ =	shalt  }
0x51: {  	_ =	shalt  }
0x52: {  	_ =	shalt  }
0x53: {  	_ =	shalt  }
0x54: {  	_ =	shalt  }
0x55: {  	_ =	shalt  }
0x56: {  	_ =	shalt  }
0x57: {  	_ =	shalt  }
0x58: {  	_ =	shalt  }
0x59: {  	_ =	shalt  }
0x5a: {  	_ =	shalt  }
0x5b: {  	_ =	shalt  }
0x5c: {  	_ =	shalt  }
0x5d: {  	_ =	shalt  }
0x5e: {  	_ =	shalt  }
0x5f: {  	_ =	shalt  }
0x60: {  	_ =	shalt  }
0x61: {  	_ =	shalt  }
0x62: {  	_ =	shalt  }
0x63: {  	_ =	shalt  }
0x64: {  	_ =	shalt  }
0x65: {  	_ =	shalt  }
0x66: {  	_ =	shalt  }
0x67: {  	_ =	shalt  }
0x68: {  	_ =	shalt  }
0x69: {  	_ =	shalt  }
0x6a: {  	_ =	shalt  }
0x6b: {  	_ =	shalt  }
0x6c: {  	_ =	shalt  }
0x6d: {  	_ =	shalt  }
0x6e: {  	_ =	shalt  }
0x6f: {  	_ =	shalt  }
0x70: {  	_ =	shalt  }
0x71: {  	_ =	shalt  }
0x72: {  	_ =	shalt  }
0x73: {  	_ =	shalt  }
0x74: {  	_ =	shalt  }
0x75: {  	_ =	shalt  }
0x76: {  	_ =	shalt  }
0x77: {  	_ =	shalt  }
0x78: {  	_ =	shalt  }
0x79: {  	_ =	shalt  }
0x7a: {  	_ =	shalt  }
0x7b: {  	_ =	shalt  }
0x7c: {  	_ =	shalt  }
0x7d: {  	_ =	shalt  }
0x7e: {  	_ =	shalt  }
0x7f: {  	_ =	shalt  }
0x80: {  	_ =	shalt  }
0x81: {  	_ =	shalt  }
0x82: {  	_ =	shalt  }
0x83: {  	_ =	shalt  }
0x84: {  	_ =	shalt  }
0x85: {  	_ =	shalt  }
0x86: {  	_ =	shalt  }
0x87: {  	_ =	shalt  }
.Lfunc_end0:
.L_simem_size_0:
called_computation_lowered:
.L_overlay_start_0:
0x88: {  	s2 =	sld [smem:$0x3FD9]  }
0x89: {  	s3 =	sld [smem:$0x3FFE];
	_ =	sdelay $0x1  }
0x8a: {  	s1 =	srdreg.scid  }
0x8b: {  	s0 =	sand.u32 $0x1, s1  }
0x8c: {  	s18 =	sshll.u32 s0, $0xA;
	s2 =	sadd.s32 s3, s2  }
0x8d: {  	s2 =	sadd.s32 s2, s18  }
0x8e: {  	[smem:$0x3FC7] =	sst s2  }
0x8f: {  	_ = 	snop  }
0x90: {  	s2 =	sld [smem:$0x3FC9]  }
0x91: {  	s19 =	sld [smem:$0x3FD0];
	(tm) =	ssettm $0x1  }
0x92: {  	s4 =	sld [smem:$0x3FFB];
	_ =	sdelay $0x3  }
0x93: {  	_ =	strace s4  }
0x94: {  	s4 =	sld [smem:$0x3FFC];
	_ =	sdelay $0x3  }
0x95: {  	_ =	strace s4  }
0x96: {  	s4 =	sld [smem:$0x3FFD];
	_ =	sdelay $0x3  }
0x97: {  	_ =	strace s4  }
0x98: {  	_ =	strace $0x8FFFFFFF  }
0x99: {  	s20 =	sld [smem:$0x3FDB];
	_ =	sdelay $0x1  }
0x9a: {  	s5 =	simm.s32 $_scs_section_size  }
0x9b: {  	s6 =	simm.s32 $_size__tile_overlayer_lowered;
	s7 =	simm.s32 $_tile_overlayer_lowered  }
0x9c: {  	s23 =	simm.s32 $0x1BFF;
	s22 =	sshll.u32 s7, $0x1;
	s4 =	sadd.s32 s5, s20  }
0x9d: {  	s8 =	simm.s32 $0x0;
	s21 =	sshll.u32 s6, $0x1;
	s6 =	sadd.s32 s22, s4  }
0x9e: {  	[timem:s8], [sflag:s23] =	dma.local [hbm:s6], s21  }
0x9f: {  	_ =	swait.ge [sflag:s23], s21  }
0xa0: {  	s5 =	ssub.s32 $0x0, s21;
	[sflag:s23] =	ssyncset.done $0x0  }
0xa1: {  	[sflag:s23] =	ssyncadd.s32 s5;
	_ =	sdelay $0x1  }
0xa2: {  	s24 =	simm.s32 $0x1B8B  }
0xa3: {  	_ =	swait.ge [sflag:s24], $0x1  }
0xa4: {  	[sflag:s24] =	ssyncset.done $0x0  }
0xa5: {  	s25 =	simm.s32 $0x1B8E;
	[sflag:s24] =	ssyncadd.s32 $0xFFFFFFFF  }
0xa6: {  	s26 =	simm.s32 $execute0_lowered;
	[smem:$0x3FD2] =	sst s25  }
0xa7: {  	s5 =	sshll.u32 s26, $0x1;
	_ =	strace $0x80000046;
	[dreg:$0x1] =	wrdreg $0xFFFFFFFF  }
0xa8: {  	s28 =	simm.s32 $_size_execute0_lowered;
	s4 =	sadd.s32 s4, s5;
	[dreg:$0x0] =	wrdreg $0x0  }
0xa9: {  	s5 =	sshll.u32 s28, $0x1;
	[dreg:$0x2] =	wrdreg s4  }
0xaa: {  	[dreg:$0x3] =	wrdreg s5  }
0xab: {  	[dreg:$0x4] =	wrdreg $0xC0  }
0xac: {  	_ =	task [dreg:s8], $0x5FFFF  }
0xad: {  	[dreg:$0x1] =	wrdreg $0xFFFFFFFF  }
0xae: {  	[dreg:$0x0] =	wrdreg $0x60  }
0xaf: {  	[dreg:$0x2] =	wrdreg s2  }
0xb0: {  	[dreg:$0x3] =	wrdreg s19  }
0xb1: {  	[dreg:$0x4] =	wrdreg $0x9  }
0xb2: {  	_ =	task.clear_ibuf [dreg:s8], $0x5FFFF;
	_ =	strace $0x90000046  }
0xb3: {  	s29 =	simm.s32 $0x9;
	_ =	strace $0x80000048  }
0xb4: {  	_ =	swait.ge [sflag:s29], $0x1  }
0xb5: {  	[sflag:s29] =	ssyncadd.s32 $0xFFFFFFFF  }
0xb6: {  	_ =	strace $0x90000048  }
0xb7: {  	_ =	sfence  }
0xb8: {  	s30 =	sld [smem:$0x0];
	_ =	sdelay $0x2  }
0xb9: {  	s31 =	sshll.u32 s1, $0xD;
	s1 =	sshrl.u32 s1, $0x2  }
0xba: {  	s3 =	sand.u32 $0x4000, s31;
	s1 =	sadd.s32 s1, s30  }
0xbb: {  	s0 =	sor.u32 s3, s0;
	s1 =	sshll.u32 s1, $0x11  }
0xbc: {  	s0 =	sor.u32 s1, s0  }
0xbd: {  	s0 =	sadd.s32 $0x8F2B, s0  }
0xbe: {  	[sflag:s0] =	ssyncadd.remote.s32 $0x1  }
0xbf: {  	_ =	sfence.sel $0xFFFF  }
0xc0: {  	[dreg:$0x0] =	wrdreg $0xFFFFFFFF;
	(pc) =	sbr.abs _section_cstart, $3  }
0xc1: {  	[dreg:$0x1] =	wrdreg $0xFFFFFFFF  }
0xc2: {  	_ =	task.clear_ibuf [dreg:s8], $0x2FFFF;
	_ =	strace $0x9FFFFFFF  }
0xc3: {  	(tm) =	ssettm $0x7FFFFFFF  }
tec
execute0_lowered:
.L_overlay_start_1:
0x0: {  	(tag) =	ssettag $0x1  }
0x1: {  	s1 =	rddreg [dreg:$0x0]  }
0x2: {  	s2 =	rddreg [dreg:$0x1]  }
0x3: {  	s0 =	simm.s32 $0x0;
	s4 =	srdreg.scid;
	s29 =	stileid.u32  }
0x4: {  	s11 =	simm.s32 $0x1;
	s12 =	simm.s32 $0x10000;
	s13 =	simm.s32 $0x18800  }
0x5: {  	s14 =	simm.s32 $0x10800;
	s16 =	simm.s32 $0x3;
	s17 =	simm.s32 $0x0  }
0x6: {  	[smem:$0x7FF] =	sst s0;
	s5 =	sand.u32 $0x1, s4;
	s8 =	sshll.u32 s29, $0xF  }
0x7: {  	s10 =	sshll.u32 s29, $0x3;
	_ =	strace $0x80000047;
	s6 =	ssub.s32 $0x2, s5  }
0x8: {  	s9 =	sshll.u32 s5, $0x6;
	s5 =	sshll.u32 s5, $0x2;
	s7 =	sshrl.u32 s6, $0x1  }
0x9: {  	s8 =	sor.u32 s9, s8;
	s5 =	sor.u32 s5, s10;
	s9 =	simm.s32 $0x80  }
0xa: {  	s10 =	simm.s32 $0x400;
	s30 =	ssub.s32 s6, s7;
	s31 =	sadd.s32 s8, s2  }
0xb: {  	v0 =	vimm.s32 $0x0;
	v1 =	vimm.s32 $0x1;
	v2 =	vlaneseq.u32;
	s6 =	sadd.s32 s1, s8;
	s7 =	sadd.s32 $0x30, s31;
	s8 =	smax.u32 s30, $0x1  }
.LBB2_1:
0xc: {  	s0 =	simm.s32 $0x0;
	p1 =	por $0x0, $0x0;
	s18 =	simm.s32 $0x0  }
0xd: {  	v3 =	vimm.f32 $+Inf;
	[tilespmem:s0], [sflag:$0x1] =	stream.strided.gather [hbm4b:s6+s9], $0x8000, s10, s9, $0x38;
	[tilespmem:$0x18880] =	vst v63  }
.LBB2_2:
0xe: {  	_ =	swait.ge [sflag:s11], $0x8000  }
0xf: {  	[sflag:s11] =	ssyncset.done $0x0  }
0x10: {  	s22 =	simm.s32 $0x10040;
	[sflag:s11] =	ssyncadd.s32 $0xFFFF8000  }
0x11: {  	[tilespmem:s22+$0xFFFFFFC0] =	vst v0  }
0x12: {  	[tilespmem:s22+$0x30] =	vst v0  }
0x13: {  	s19 =	simm.s32 $0x1;
	[tilespmem:s22+$0x20] =	vst v0  }
0x14: {  	s19 =	simm.s32 @!p1 $0x0;
	[tilespmem:s22+$0x10] =	vst v0  }
0x15: {  	s21 =	sshll.u32 s19, $0x11;
	[tilespmem:s22+$0x0] =	vst v0  }
0x16: {  	s23 =	simm.s32 $0x0;
	s19 =	sshrl.u32 s21, $0x2;
	[tilespmem:s22+$0xFFFFFFF0] =	vst v0  }
0x17: {  	[tilespmem:s22+$0xFFFFFFE0] =	vst v0;
	s20 =	sor.u32 $0x40, s19;
	s19 =	ssub.s32 $0x0, s21;
	s21 =	sor.u32 $0x100, s21  }
.LBB2_3:
0x18: {  	s23 =	sadd.s32 $0x8, s23;
	[tilespmem:s22+$0xFFFFFFD0] =	vst v0;
	s22 =	sadd.s32 $0x80, s22  }
0x19: {  	[tilespmem:s22+$0xFFFFFFC0] =	vst v0;
	p0 =	slt.u32 s23, $0x78  }
0x1a: {  	[tilespmem:s22+$0x30] =	vst v0  }
.Ltmp0:
0x1b: {  	[tilespmem:s22+$0x20] =	vst v0;
	(pc) =	sbr.rel @p0 .LBB2_3-.Ltmp0, $4  }
0x1c: {  	[tilespmem:s22+$0x10] =	vst v0  }
0x1d: {  	[tilespmem:s22+$0x0] =	vst v0  }
0x1e: {  	[tilespmem:s22+$0xFFFFFFF0] =	vst v0  }
0x1f: {  	[tilespmem:s22+$0xFFFFFFE0] =	vst v0  }
0x20: {  	s23 =	sshra.s32 s19, $0x2  }
0x21: {  	v5 =	vmov s23;
	_ =	sdelay $0x1  }
0x22: {  	s0 =	simm.s32 @!p1 $0x0  }
0x23: {  	[tilespmem:s22+$0xFFFFFFD0] =	vst v0;
	s0 =	simm.s32 @p1 $0x1  }
0x24: {  	s24 =	sshrl.u32 s21, $0x2;
	s21 =	simm.s32 $0x0;
	[smem:$0x7FD] =	sst s0  }
0x25: {  	v6 =	vld.idx.msk [tilespmem:v5+s21+$0x8030 ss:$0x1], $0xffff  }
0x26: {  	v7 =	vld.idx.msk [tilespmem:v5+s21+$0x8000 ss:$0x1], $0xffff  }
0x27: {  	v8 =	vld.idx.msk [tilespmem:v5+s21+$0x8010 ss:$0x1], $0xffff  }
0x28: {  	v4 =	vmov s24;
	v11 =	vld.idx.msk [tilespmem:v5+s21+$0x8060 ss:$0x1], $0xffff  }
0x29: {  	v9 =	vld.idx.msk [tilespmem:v5+s21+$0x8020 ss:$0x1], $0xffff  }
0x2a: {  	v12 =	vld.idx.msk [tilespmem:v5+s21+$0x8070 ss:$0x1], $0xffff;
	vm0 =	vge.f32 v6, v3  }
0x2b: {  	v13 =	vld.idx.msk [tilespmem:v5+s21+$0x8040 ss:$0x1], $0xffff;
	vm10 =	vge.f32 v7, v3;
	v6 =	vnsel vm0, $0x0, v6  }
0x2c: {  	v14 =	vld.idx.msk [tilespmem:v5+s21+$0x8050 ss:$0x1], $0xffff;
	vm11 =	vge.f32 v8, v3;
	[tilespmem:v5+s21+$0x8030 ss:$0x1] =	vst.idx.msk $0xffff, v6;
	v6 =	vnsel vm10, $0x0, v7  }
0x2d: {  	[tilespmem:v5+s21+$0x8000 ss:$0x1] =	vst.idx.msk $0xffff, v6;
	v6 =	vnsel vm11, $0x0, v8;
	v8 =	vld.idx.msk [tilespmem:v4+s21+$0xFFFFFFF0 ss:$0x1], $0xffff  }
0x2e: {  	vm12 =	vge.f32 v9, v3;
	v10 =	vld.idx.msk [tilespmem:v4+s21+$0xFFFFFFC0 ss:$0x1], $0xffff;
	[tilespmem:v5+s21+$0x8010 ss:$0x1] =	vst.idx.msk $0xffff, v6  }
0x2f: {  	vm13 =	vge.f32 v12, v3;
	v6 =	vnsel vm12, $0x0, v9;
	v7 =	vld.idx.msk [tilespmem:v4+s21+$0xFFFFFFD0 ss:$0x1], $0xffff  }
0x30: {  	vm1 =	vge.f32 v13, v3;
	v12 =	vnsel vm13, $0x0, v12;
	[tilespmem:v5+s21+$0x8020 ss:$0x1] =	vst.idx.msk $0xffff, v6  }
0x31: {  	vm14 =	vge.f32 v14, v3;
	[tilespmem:v5+s21+$0x8070 ss:$0x1] =	vst.idx.msk $0xffff, v12;
	v6 =	vnsel vm1, $0x0, v13;
	v9 =	vld.idx.msk [tilespmem:v4+s21+$0xFFFFFFE0 ss:$0x1], $0xffff  }
0x32: {  	s31 =	sxor.u32 $0xFFFFFFFF, s18;
	vm15 =	vge.f32 v11, v3;
	v13 =	vnsel vm14, $0x0, v14;
	[tilespmem:v5+s21+$0x8040 ss:$0x1] =	vst.idx.msk $0xffff, v6;
	v6 =	vld.idx.msk [tilespmem:v4+s21+$0x30 ss:$0x1], $0xffff;
	v12 =	vshra.s32 v8, $0x1F  }
0x33: {  	s22 =	sshll.u32 s31, $0xF;
	v11 =	vnsel vm15, $0x0, v11;
	[tilespmem:v5+s21+$0x8050 ss:$0x1] =	vst.idx.msk $0xffff, v13;
	v14 =	vshra.s32 v10, $0x1F;
	v15 =	vor.u32 $0x80000000, v12;
	v12 =	vld.idx.msk [tilespmem:v4+s21+$0x0 ss:$0x1], $0xffff  }
0x34: {  	s23 =	simm.s32 $0x80;
	s19 =	sand.u32 $0x8000, s22;
	s22 =	simm.s32 $0x0;
	v13 =	vor.u32 $0x80000000, v14;
	v14 =	vshra.s32 v7, $0x1F;
	v15 =	vxor.u32 v8, v15;
	v8 =	vld.idx.msk [tilespmem:v4+s21+$0x10 ss:$0x1], $0xffff  }
.LBB2_5:
0x35: {  	v16 =	vld.idx.msk [tilespmem:v5+s23+$0x8030 ss:$0x1], $0xffff;
	s22 =	sadd.s32 $0x8, s22  }
0x36: {  	v18 =	vshra.s32 v9, $0x1F;
	v17 =	vld.idx.msk [tilespmem:v5+s23+$0x8000 ss:$0x1], $0xffff;
	p1 =	slt.u32 s22, $0x7F8  }
0x37: {  	v15 =	vshrl.u32 v15, $0x15;
	v18 =	vor.u32 $0x80000000, v18;
	v19 =	vld.idx.msk [tilespmem:v5+s23+$0x8010 ss:$0x1], $0xffff  }
0x38: {  	v10 =	vxor.u32 v10, v13;
	v13 =	vor.u32 $0x80000000, v14;
	v14 =	vshra.s32 v6, $0x1F;
	v20 =	vld.idx.msk [tilespmem:v5+s23+$0x8060 ss:$0x1], $0xffff  }
0x39: {  	v10 =	vshrl.u32 v10, $0x15;
	v7 =	vxor.u32 v7, v13;
	v13 =	vshra.s32 v12, $0x1F;
	v21 =	vld.idx.msk [tilespmem:v5+s23+$0x8050 ss:$0x1], $0xffff;
	[tilespmem:v5+s21+$0x8060 ss:$0x1] =	vst.idx.msk $0xffff, v11  }
0x3a: {  	v14 =	vor.u32 $0x80000000, v14;
	v9 =	vxor.u32 v9, v18;
	v11 =	vor.u32 $0x80000000, v13;
	v13 =	vld.idx.msk [tilespmem:v4+s21+$0x20 ss:$0x1], $0xffff;
	s21 =	smov.u32 s23  }
0x3b: {  	vm0 =	vge.f32 v16, v3;
	v11 =	vxor.u32 v12, v11;
	v12 =	vshra.s32 v8, $0x1F;
	v18 =	vld.idx.msk [tilespmem:v5+s23+$0x8040 ss:$0x1], $0xffff  }
0x3c: {  	v9 =	vshrl.u32 v9, $0x15;
	v16 =	vnsel vm0, $0x0, v16;
	v23 =	vshrl.u32 v11, $0x15;
	v22 =	vld.idx.msk [tilespmem:v5+s23+$0x8020 ss:$0x1], $0xffff  }
0x3d: {  	v7 =	vshrl.u32 v7, $0x15;
	v6 =	vxor.u32 v6, v14;
	v11 =	vor.u32 $0x80000000, v12;
	[tilespmem:v5+s23+$0x8030 ss:$0x1] =	vst.idx.msk $0xffff, v16;
	v16 =	vld.idx.msk [tilespmem:v5+s23+$0x8070 ss:$0x1], $0xffff  }
0x3e: {  	v6 =	vshrl.u32 v6, $0x15;
	vm0 =	vge.f32 v17, v3;
	v8 =	vxor.u32 v8, v11;
	[tilespmem:v10+s12+$0x0] =	vst.idx.add.s32.msk $0xffff, v1  }
0x3f: {  	v10 =	vnsel vm0, $0x0, v17;
	vm0 =	vge.f32 v19, v3;
	[tilespmem:v15+s12+$0x0] =	vst.idx.add.s32.msk $0xffff, v1  }
0x40: {  	v8 =	vshrl.u32 v8, $0x15;
	v12 =	vnsel vm0, $0x0, v19;
	[tilespmem:v5+s23+$0x8000 ss:$0x1] =	vst.idx.msk $0xffff, v10;
	v15 =	vld.idx.msk [tilespmem:v4+s23+$0xFFFFFFF0 ss:$0x1], $0xffff;
	v10 =	vshra.s32 v13, $0x1F  }
0x41: {  	vm1 =	vge.f32 v21, v3;
	vm0 =	vge.f32 v18, v3;
	[tilespmem:v9+s12+$0x0] =	vst.idx.add.s32.msk $0xffff, v1;
	v9 =	vor.u32 $0x80000000, v10  }
0x42: {  	vm2 =	vge.f32 v22, v3;
	v14 =	vnsel vm0, $0x0, v18;
	vm0 =	vge.f32 v20, v3;
	[tilespmem:v7+s12+$0x0] =	vst.idx.add.s32.msk $0xffff, v1  }
0x43: {  	v17 =	vnsel vm2, $0x0, v22;
	v11 =	vnsel vm0, $0x0, v20;
	vm0 =	vge.f32 v16, v3;
	[tilespmem:v6+s12+$0x0] =	vst.idx.add.s32.msk $0xffff, v1  }
0x44: {  	v18 =	vnsel vm1, $0x0, v21;
	v7 =	vxor.u32 v13, v9;
	v6 =	vnsel vm0, $0x0, v16;
	[tilespmem:v23+s12+$0x0] =	vst.idx.add.s32.msk $0xffff, v1  }
0x45: {  	v10 =	vld.idx.msk [tilespmem:v4+s23+$0xFFFFFFC0 ss:$0x1], $0xffff;
	[tilespmem:v5+s23+$0x8010 ss:$0x1] =	vst.idx.msk $0xffff, v12;
	v12 =	vshrl.u32 v7, $0x15  }
0x46: {  	v7 =	vld.idx.msk [tilespmem:v4+s23+$0xFFFFFFD0 ss:$0x1], $0xffff;
	[tilespmem:v5+s23+$0x8020 ss:$0x1] =	vst.idx.msk $0xffff, v17  }
0x47: {  	v9 =	vld.idx.msk [tilespmem:v4+s23+$0xFFFFFFE0 ss:$0x1], $0xffff;
	[tilespmem:v5+s23+$0x8070 ss:$0x1] =	vst.idx.msk $0xffff, v6  }
.Ltmp1:
0x48: {  	[tilespmem:v5+s23+$0x8040 ss:$0x1] =	vst.idx.msk $0xffff, v14;
	v6 =	vld.idx.msk [tilespmem:v4+s23+$0x30 ss:$0x1], $0xffff;
	(pc) =	sbr.rel @p1 .LBB2_5-.Ltmp1, $4  }
0x49: {  	[tilespmem:v8+s12+$0x0] =	vst.idx.add.s32.msk $0xffff, v1  }
0x4a: {  	v8 =	vshra.s32 v15, $0x1F;
	[tilespmem:v12+s12+$0x0] =	vst.idx.add.s32.msk $0xffff, v1  }
0x4b: {  	v13 =	vshra.s32 v10, $0x1F;
	v8 =	vor.u32 $0x80000000, v8;
	v12 =	vld.idx.msk [tilespmem:v4+s23+$0x0 ss:$0x1], $0xffff;
	[tilespmem:v5+s23+$0x8050 ss:$0x1] =	vst.idx.msk $0xffff, v18  }
0x4c: {  	v13 =	vor.u32 $0x80000000, v13;
	v14 =	vshra.s32 v7, $0x1F;
	v15 =	vxor.u32 v15, v8;
	s23 =	sadd.s32 $0x80, s23;
	v8 =	vld.idx.msk [tilespmem:v4+s21+$0x10 ss:$0x1], $0xffff  }
0x4d: {  	_ =	sdelay $0x3  }
0x4e: {  	v3 =	vshra.s32 v9, $0x1F;
	[tilespmem:v5+s21+$0x8060 ss:$0x1] =	vst.idx.msk $0xffff, v11;
	v5 =	vshrl.u32 v15, $0x15  }
0x4f: {  	v10 =	vxor.u32 v10, v13;
	v11 =	vor.u32 $0x80000000, v14;
	v13 =	vshra.s32 v6, $0x1F;
	v4 =	vld.idx.msk [tilespmem:v4+s21+$0x20 ss:$0x1], $0xffff  }
0x50: {  	v3 =	vor.u32 $0x80000000, v3;
	v10 =	vshrl.u32 v10, $0x15;
	v7 =	vxor.u32 v7, v11  }
0x51: {  	v11 =	vor.u32 $0x80000000, v13;
	v3 =	vxor.u32 v9, v3;
	v14 =	vshra.s32 v12, $0x1F  }
0x52: {  	v7 =	vshrl.u32 v7, $0x15;
	v3 =	vshrl.u32 v3, $0x15;
	v9 =	vor.u32 $0x80000000, v14  }
0x53: {  	v6 =	vxor.u32 v6, v11;
	v9 =	vxor.u32 v12, v9;
	v12 =	vshra.s32 v8, $0x1F  }
0x54: {  	v6 =	vshrl.u32 v6, $0x15;
	v11 =	vor.u32 $0x80000000, v12;
	v12 =	vshra.s32 v4, $0x1F  }
0x55: {  	v9 =	vshrl.u32 v9, $0x15;
	[tilespmem:v10+s12+$0x0] =	vst.idx.add.s32.msk $0xffff, v1;
	v8 =	vxor.u32 v8, v11;
	v10 =	vor.u32 $0x80000000, v12  }
0x56: {  	[tilespmem:v5+s12+$0x0] =	vst.idx.add.s32.msk $0xffff, v1;
	v5 =	vshrl.u32 v8, $0x15;
	v4 =	vxor.u32 v4, v10  }
0x57: {  	p0 =	seq.s32 s18, $0x0;
	s21 =	sadd.s32 s5, s18;
	[tilespmem:v3+s12+$0x0] =	vst.idx.add.s32.msk $0xffff, v1;
	v3 =	vshrl.u32 v4, $0x15  }
0x58: {  	s22 =	sadd.s32 @!p0 $0xFFFFFFFF, s21;
	[tilespmem:v7+s12+$0x0] =	vst.idx.add.s32.msk $0xffff, v1  }
0x59: {  	s23 =	sshll.u32 @!p0 s22, $0xF;
	s22 =	sshll.u32 @!p0 s22, $0x7;
	[tilespmem:v6+s12+$0x0] =	vst.idx.add.s32.msk $0xffff, v1  }
0x5a: {  	s23 =	sand.u32 @!p0 $0xFFFC0000, s23;
	s22 =	sand.u32 @!p0 $0x380, s22;
	[tilespmem:v9+s12+$0x0] =	vst.idx.add.s32.msk $0xffff, v1  }
0x5b: {  	s4 =	simm.s32 $0x10040;
	s0 =	simm.s32 @!p0 $0x0;
	s22 =	sor.u32 @!p0 s22, s23;
	[tilespmem:v5+s12+$0x0] =	vst.idx.add.s32.msk $0xffff, v1  }
0x5c: {  	s24 =	simm.s32 @!p0 $0x400;
	s0 =	simm.s32 @p0 $0x1;
	s22 =	sshrl.u32 @!p0 s22, $0x3;
	[tilespmem:v3+s12+$0x0] =	vst.idx.add.s32.msk $0xffff, v1  }
0x5d: {  	s23 =	simm.s32 @!p0 $0x80;
	s22 =	sadd.s32 @!p0 s2, s22;
	[smem:$0x7FC] =	sst s0  }
0x5e: {  	[hbm4b:s22+s23] =	stream.strided.scatter @!p0 [tilespmem:s19], [sflag:$0x2], $0x8000, s24, s23, $0x38;
	[tilespmem:$0x18880] =	vst v63  }
0x5f: {  	v3 =	vld [tilespmem:s4+$0x30]  }
0x60: {  	v4 =	vld [tilespmem:s4+$0xFFFFFFD0]  }
0x61: {  	v5 =	vld [tilespmem:s4+$0xFFFFFFE0]  }
0x62: {  	v6 =	vld [tilespmem:s4+$0xFFFFFFF0]  }
0x63: {  	v8 =	vld [tilespmem:s4+$0x0]  }
0x64: {  	v10 =	vld [tilespmem:s4+$0x10];
	(xrf0) =	vadd.scan.msk.s32 $0xffff, v3  }
0x65: {  	s15 =	simm.s32 $0x1;
	s25 =	simm.s32 $0x2;
	s30 =	simm.s32 $0x5;
	v11 =	vld [tilespmem:s4+$0x20];
	(xrf0) =	vadd.scan.msk.s32 $0xffff, v4  }
0x66: {  	s26 =	simm.s32 $0x4;
	s29 =	simm.s32 $0x7;
	v14 =	vmov s30;
	v7 =	vmov s25;
	v13 =	vld [tilespmem:s4+$0xFFFFFFC0];
	v4 =	vmov s15;
	(xrf0) =	vadd.scan.msk.s32 $0xffff, v5  }
0x67: {  	s25 =	simm.s32 $0x3;
	v12 =	vmov s26;
	v9 =	vmov s29;
	v4 =	vand.u32 $0xFFFFFFF9, v4;
	(xrf0) =	vadd.scan.msk.s32 $0xffff, v6  }
0x68: {  	s22 =	simm.s32 $0x0;
	v5 =	vmov s25;
	v6 =	vand.u32 $0xFFFFFFFA, v7;
	v7 =	vbroadcast v4, $0x0;
	(xrf0) =	vadd.scan.msk.s32 $0xffff, v8  }
0x69: {  	v3 =	vmov s22;
	v4 =	vand.u32 $0xFFFFFFFB, v5;
	v6 =	vbroadcast v6, $0x0;
	(xrf0) =	vadd.scan.msk.s32 $0xffff, v10  }
0x6a: {  	s31 =	simm.s32 $0x6;
	s26 =	simm.s32 $0x100C0;
	v5 =	vand.u32 $0xFFFFFFFC, v12;
	v12 =	vand.u32 $0xFFFFFFFD, v14;
	v4 =	vbroadcast v4, $0x0;
	(xrf0) =	vadd.scan.msk.s32 $0xffff, v11;
	v11, _, _ =	vpop (xrf0)  }
0x6b: {  	s28 =	simm.s32 $0x10;
	s25 =	simm.s32 $0x8;
	v8 =	vld [tilespmem:s26+$0x30];
	v5 =	vbroadcast v5, $0x0;
	v10 =	vmov s31;
	v11 =	vbroadcast v11, $0xF;
	(xrf0) =	vadd.scan.msk.s32 $0xffff, v13;
	v13, _, _ =	vpop (xrf0)  }
.LBB2_7:
0x6c: {  	p2 =	slt.u32 s28, $0x78;
	v14 =	vld [tilespmem:s26+$0xFFFFFFD0];
	v13 =	vbroadcast v13, $0xF;
	v12 =	vbroadcast v12, $0x0;
	v10 =	vand.u32 $0xFFFFFFFE, v10;
	s24 =	simm.s32 $0x18870;
	v15, _, _ =	vpop (xrf0)  }
0x6d: {  	v3 =	vand.u32 $0xFFFFFFF8, v3;
	s23 =	simm.s32 $0x5F;
	v16 =	vld [tilespmem:s26+$0xFFFFFFE0];
	v15 =	vbroadcast v15, $0xF;
	v10 =	vbroadcast v10, $0x0;
	[tilespmem:v9+s13+$0x0] =	vst.idx.msk $0x1, v11;
	v9, _, _ =	vpop (xrf0)  }
0x6e: {  	s29 =	sadd.s32 $0x1, s25;
	v17 =	vbroadcast v3, $0x0;
	v11 =	vld [tilespmem:s26+$0xFFFFFFF0];
	[tilespmem:v7+s13+$0x0] =	vst.idx.msk $0x1, v13;
	v20 =	vbroadcast v9, $0xF;
	v9, _, _ =	vpop (xrf0)  }
0x6f: {  	v3 =	vmov s25;
	v13 =	vmov s29;
	s29 =	sadd.s32 $0x2, s25;
	v18 =	vld [tilespmem:s26+$0x0];
	[tilespmem:v6+s13+$0x0] =	vst.idx.msk $0x1, v15;
	v21 =	vbroadcast v9, $0xF;
	v9, _, _ =	vpop (xrf0)  }
0x70: {  	v15 =	vmov s29;
	s29 =	sadd.s32 $0x3, s25;
	v19 =	vld [tilespmem:s26+$0x10];
	(xrf0) =	vadd.scan.msk.s32 $0xffff, v8;
	[tilespmem:v4+s13+$0x0] =	vst.idx.msk $0x1, v20;
	v4 =	vbroadcast v9, $0xF;
	v7, _, _ =	vpop (xrf0)  }
0x71: {  	v8 =	vmov s29;
	s29 =	sadd.s32 $0x4, s25;
	v20 =	vld [tilespmem:s26+$0x20];
	(xrf0) =	vadd.scan.msk.s32 $0xffff, v14;
	[tilespmem:v5+s13+$0x0] =	vst.idx.msk $0x1, v21;
	v5 =	vbroadcast v7, $0xF;
	v6, _, _ =	vpop (xrf0)  }
0x72: {  	v21 =	vmov s29;
	v14 =	vld [tilespmem:s26+$0xFFFFFFC0];
	(xrf0) =	vadd.scan.msk.s32 $0xffff, v16;
	v6 =	vbroadcast v6, $0xF;
	[tilespmem:v12+s13+$0x0] =	vst.idx.msk $0x1, v4  }
.Ltmp2:
0x73: {  	s29 =	sadd.s32 $0x7, s25;
	v4 =	vand.u32 $0xFFFFFFF9, v13;
	v12 =	vand.u32 $0xFFFFFFFA, v15;
	(xrf0) =	vadd.scan.msk.s32 $0xffff, v11;
	[tilespmem:v10+s13+$0x0] =	vst.idx.msk $0x1, v5;
	(pc) =	sbr.rel @p2 .LBB2_7-.Ltmp2, $4  }
0x74: {  	s30 =	sadd.s32 $0x5, s25;
	v9 =	vmov s29;
	v7 =	vbroadcast v4, $0x0;
	(xrf0) =	vadd.scan.msk.s32 $0xffff, v18;
	[tilespmem:v17+s13+$0x0] =	vst.idx.msk $0x1, v6  }
0x75: {  	s29 =	sadd.s32 $0x6, s25;
	s25 =	smov.u32 s28;
	v4 =	vand.u32 $0xFFFFFFFB, v8;
	v11 =	vmov s30;
	v6 =	vbroadcast v12, $0x0;
	(xrf0) =	vadd.scan.msk.s32 $0xffff, v19  }
0x76: {  	s26 =	sadd.s32 $0x80, s26;
	v5 =	vand.u32 $0xFFFFFFFC, v21;
	v10 =	vmov s29;
	v4 =	vbroadcast v4, $0x0;
	(xrf0) =	vadd.scan.msk.s32 $0xffff, v20;
	v13, _, _ =	vpop (xrf0)  }
0x77: {  	s28 =	sadd.s32 $0x8, s28;
	v5 =	vbroadcast v5, $0x0;
	v12 =	vand.u32 $0xFFFFFFFD, v11;
	v8 =	vld [tilespmem:s26+$0x30];
	v11 =	vbroadcast v13, $0xF;
	(xrf0) =	vadd.scan.msk.s32 $0xffff, v14;
	v13, _, _ =	vpop (xrf0)  }
0x78: {  	_ =	sdelay $0x2  }
0x79: {  	v14 =	vld [tilespmem:s26+$0xFFFFFFD0];
	v13 =	vbroadcast v13, $0xF;
	v15, _, _ =	vpop (xrf0);
	v12 =	vbroadcast v12, $0x0;
	v10 =	vand.u32 $0xFFFFFFFE, v10  }
0x7a: {  	v16 =	vld [tilespmem:s26+$0xFFFFFFE0];
	v15 =	vbroadcast v15, $0xF;
	[tilespmem:v9+s13+$0x0] =	vst.idx.msk $0x1, v11;
	v9, _, _ =	vpop (xrf0);
	v10 =	vbroadcast v10, $0x0  }
0x7b: {  	v3 =	vand.u32 $0xFFFFFFF8, v3;
	v11 =	vld [tilespmem:s26+$0xFFFFFFF0];
	[tilespmem:v7+s13+$0x0] =	vst.idx.msk $0x1, v13;
	v7 =	vbroadcast v9, $0xF;
	v9, _, _ =	vpop (xrf0)  }
0x7c: {  	s28 =	sadd.s32 $0x1, s25;
	v58 =	vmov s25;
	v17 =	vld [tilespmem:s26+$0x0];
	v3 =	vbroadcast v3, $0x0;
	[tilespmem:v6+s13+$0x0] =	vst.idx.msk $0x1, v15;
	v6 =	vbroadcast v9, $0xF;
	v9, _, _ =	vpop (xrf0)  }
0x7d: {  	s29 =	sadd.s32 $0x2, s25;
	v19 =	vld [tilespmem:s26+$0x10];
	v59 =	vmov s28;
	(xrf0) =	vadd.scan.msk.s32 $0xffff, v8;
	[tilespmem:v4+s13+$0x0] =	vst.idx.msk $0x1, v7;
	v4, _, _ =	vpop (xrf0);
	v7 =	vbroadcast v9, $0xF  }
0x7e: {  	v18 =	vmov s29;
	s28 =	sadd.s32 $0x3, s25;
	v9 =	vld [tilespmem:s26+$0x20];
	(xrf0) =	vadd.scan.msk.s32 $0xffff, v14;
	[tilespmem:v5+s13+$0x0] =	vst.idx.msk $0x1, v6;
	v4 =	vbroadcast v4, $0xF  }
0x7f: {  	v61 =	vand.u32 $0xFFFFFFFA, v18;
	v8 =	vmov s28;
	s28 =	sadd.s32 $0x4, s25;
	v5, _, _ =	vpop (xrf0);
	v6 =	vld [tilespmem:s26+$0xFFFFFFC0];
	(xrf0) =	vadd.scan.msk.s32 $0xffff, v16;
	[tilespmem:v12+s13+$0x0] =	vst.idx.msk $0x1, v7  }
0x80: {  	s31 =	sadd.s32 $0x7, s25;
	v60 =	vmov s28;
	s28 =	sadd.s32 $0x5, s25;
	v7 =	vand.u32 $0xFFFFFFF9, v59;
	(xrf0) =	vadd.scan.msk.s32 $0xffff, v11;
	[tilespmem:v10+s13+$0x0] =	vst.idx.msk $0x1, v4  }
0x81: {  	v4 =	vbroadcast v7, $0x0;
	v7 =	vmov s31;
	v11 =	vmov s28;
	(xrf0) =	vadd.scan.msk.s32 $0xffff, v17  }
0x82: {  	v8 =	vand.u32 $0xFFFFFFFB, v8;
	v10 =	vbroadcast v61, $0x0;
	v11 =	vand.u32 $0xFFFFFFFD, v11;
	(xrf0) =	vadd.scan.msk.s32 $0xffff, v19  }
0x83: {  	s0 =	sadd.s32 $0x6, s25;
	v5 =	vbroadcast v5, $0xF;
	v8 =	vbroadcast v8, $0x0;
	v62 =	vand.u32 $0xFFFFFFFC, v60;
	(xrf0) =	vadd.scan.msk.s32 $0xffff, v9;
	v9, _, _ =	vpop (xrf0)  }
0x84: {  	v63 =	vmov s0;
	v12 =	vbroadcast v62, $0x0;
	v9 =	vbroadcast v9, $0xF;
	(xrf0) =	vadd.scan.msk.s32 $0xffff, v6;
	v6, _, _ =	vpop (xrf0)  }
0x85: {  	[tilespmem:v3+s13+$0x0] =	vst.idx.msk $0x1, v5;
	v5 =	vbroadcast v11, $0x0;
	v3 =	vbroadcast v6, $0xF;
	v6 =	vand.u32 $0xFFFFFFFE, v63;
	v11, _, _ =	vpop (xrf0)  }
0x86: {  	v13 =	vand.u32 $0xFFFFFFF8, v58;
	v11 =	vbroadcast v11, $0xF;
	v6 =	vbroadcast v6, $0x0;
	[tilespmem:v7+s13+$0x0] =	vst.idx.msk $0x1, v9;
	v7, _, _ =	vpop (xrf0)  }
0x87: {  	v9 =	vbroadcast v13, $0x0;
	[tilespmem:v4+s13+$0x0] =	vst.idx.msk $0x1, v3;
	v3 =	vbroadcast v7, $0xF;
	v4, _, _ =	vpop (xrf0)  }
0x88: {  	[tilespmem:v10+s13+$0x0] =	vst.idx.msk $0x1, v11;
	v4 =	vbroadcast v4, $0xF;
	v7, _, _ =	vpop (xrf0)  }
0x89: {  	[tilespmem:v8+s13+$0x0] =	vst.idx.msk $0x1, v3;
	v3 =	vbroadcast v7, $0xF;
	v7, _, _ =	vpop (xrf0)  }
0x8a: {  	[tilespmem:v12+s13+$0x0] =	vst.idx.msk $0x1, v4;
	v4 =	vbroadcast v7, $0xF;
	v7, _, _ =	vpop (xrf0)  }
0x8b: {  	v7 =	vbroadcast v7, $0xF;
	[tilespmem:v5+s13+$0x0] =	vst.idx.msk $0x1, v3  }
0x8c: {  	[tilespmem:v6+s13+$0x0] =	vst.idx.msk $0x1, v4  }
0x8d: {  	[tilespmem:v9+s13+$0x0] =	vst.idx.msk $0x1, v7  }
0x8e: {  	v3 =	vld [tilespmem:s24+$0x0]  }
0x8f: {  	v4 =	vld [tilespmem:s24+$0xFFFFFFF0];
	_ =	sdelay $0x3  }
0x90: {  	(xrf0) =	vadd.scan.msk.s32 $0xffff, v3  }
0x91: {  	(xrf0) =	vadd.scan.msk.s32 $0xffff, v4;
	_ =	sdelay $0x4  }
0x92: {  	v5, _, _ =	vpop (xrf0)  }
0x93: {  	(v2sf) =	vpush v5, $0xF;
	v6, _, _ =	vpop (xrf0)  }
0x94: {  	(v2sf) =	vpush v6, $0xF;
	_ =	sdelay $0xc  }
0x95: {  	s3 =	simm.s32 $0x18850  }
0x96: {  	v7 =	vld [tilespmem:s3+$0x0];
	s4 =	spop (v2sf)  }
0x97: {  	s25 =	sadd.s32 $0x0, s4;
	s15 =	spop (v2sf)  }
0x98: {  	v8 =	vsub.s32 s25, v5;
	s26 =	sadd.s32 s15, s25  }
0x99: {  	v9 =	vld [tilespmem:s3+$0xFFFFFFF0];
	v3 =	vadd.s32 v3, v8;
	v10 =	vsub.s32 s26, v6  }
0x9a: {  	vm0 =	vgt.s32 v3, $0x665;
	v3 =	vadd.s32 v4, v10  }
0x9b: {  	(xrf0) =	vadd.scan.msk.s32 $0xffff, v7;
	v4 =	vsel vm0, $0x1, v0;
	vm11 =	vgt.s32 v3, $0x665  }
0x9c: {  	v3 =	vsel vm11, $0x1, v0;
	(xrf0) =	vadd.scan.msk.s32 $0xffff, v4  }
0x9d: {  	(xrf0) =	vadd.scan.msk.s32 $0xffff, v3  }
0x9e: {  	(xrf0) =	vadd.scan.msk.s32 $0xffff, v9;
	_ =	sdelay $0x2  }
0x9f: {  	v3, _, _ =	vpop (xrf0)  }
0xa0: {  	v4, _, _ =	vpop (xrf0)  }
0xa1: {  	(v2sf) =	vpush v4, $0xF;
	v4, _, _ =	vpop (xrf0)  }
0xa2: {  	(v2sf) =	vpush v3, $0xF;
	v11, _, _ =	vpop (xrf0)  }
0xa3: {  	(v2sf) =	vpush v11, $0xF;
	_ =	sdelay $0x2  }
0xa4: {  	(v2sf) =	vpush v4, $0xF;
	_ =	sdelay $0x9  }
0xa5: {  	s25 =	simm.s32 $0x18830;
	s31 =	spop (v2sf)  }
0xa6: {  	v5 =	vld [tilespmem:s25+$0x0];
	s28 =	spop (v2sf);
	s29 =	sadd.s32 $0xFFFFFFFF, s31  }
0xa7: {  	s26 =	sadd.s32 s26, s28;
	s28 =	spop (v2sf);
	v6 =	vmov s29  }
0xa8: {  	v4 =	vsub.s32 s26, v3;
	s28 =	sadd.s32 s28, s26;
	vm12 =	veq.s32 v6, v2  }
0xa9: {  	v6 =	vld [tilespmem:s25+$0xFFFFFFF0];
	v7 =	vadd.s32 v7, v4;
	v3 =	vsub.s32 s28, v11;
	v8 =	vnsel vm12, $0x0, v8  }
0xaa: {  	s26 =	spop (v2sf);
	vm13 =	vgt.s32 v7, $0x665;
	v7 =	vadd.s32 v9, v3;
	(xrf0) =	vadd.scan.msk.s32 $0xffff, v8  }
0xab: {  	s29 =	sadd.s32 $0xFFFFFFFF, s26;
	(xrf0) =	vadd.scan.msk.s32 $0xffff, v5;
	v8 =	vsel vm13, $0x1, v0;
	vm14 =	vgt.s32 v7, $0x665  }
0xac: {  	v7 =	vsel vm14, $0x1, v0;
	(xrf0) =	vadd.scan.msk.s32 $0xffff, v8;
	v8 =	vmov s29  }
0xad: {  	(xrf0) =	vadd.scan.msk.s32 $0xffff, v7;
	vm15 =	veq.s32 v8, v2  }
0xae: {  	(xrf0) =	vadd.scan.msk.s32 $0xffff, v6;
	v7 =	vnsel vm15, $0x0, v10;
	_ =	sdelay $0x1  }
0xaf: {  	v8, _, _ =	vpop (xrf0)  }
0xb0: {  	(xrf0) =	vadd.scan.msk.s32 $0xffff, v7;
	v7, _, _ =	vpop (xrf0);
	(v2sf) =	vpush v8, $0xF  }
0xb1: {  	v8, _, _ =	vpop (xrf0)  }
0xb2: {  	(v2sf) =	vpush v8, $0xF;
	v9, _, _ =	vpop (xrf0)  }
0xb3: {  	(v2sf) =	vpush v7, $0xF;
	v8, _, _ =	vpop (xrf0)  }
0xb4: {  	(v2sf) =	vpush v8, $0xF  }
0xb5: {  	(v2sf) =	vpush v9, $0xF  }
0xb6: {  	v10, _, _ =	vpop (xrf0)  }
0xb7: {  	(v2sf) =	vpush v10, $0xF;
	_ =	sdelay $0x1  }
0xb8: {  	p0 =	por $0x0, $0x0  }
0xb9: {  	s30 =	simm.s32 $0x4;
	p3 =	por !p0, !p0;
	p2 =	sgt.s32 s31, $0x0  }
0xba: {  	s24 =	sadd.s32 $0x5F, s31;
	p0 =	por p0, p2;
	p2 =	por !p2, !p3  }
0xbb: {  	p5 =	por !p0, !p0;
	p2 =	por !p2, !p2;
	p4 =	sgt.s32 s26, $0x0  }
0xbc: {  	p3 =	por p0, p4;
	s29 =	sadd.s32 $0x10, s24;
	s24 =	simm.s32 $0x0  }
0xbd: {  	p4 =	por !p4, !p5;
	s24 =	smov.u32 @p2 s29;
	s29 =	simm.s32 $0x3F  }
.LBB2_9:
0xbe: {  	s30 =	sadd.s32 $0x2, s30;
	s25 =	sadd.s32 $0xFFFFFFE0, s25;
	s31 =	spop (v2sf)  }
0xbf: {  	p4 =	por !p4, !p4;
	s23 =	sadd.s32 s23, s26;
	s22 =	smov.u32 @p2 s31  }
0xc0: {  	p0 =	por !p3, !p3;
	s24 =	smov.u32 @p4 s23;
	s26 =	spop (v2sf)  }
0xc1: {  	v9 =	vld [tilespmem:s25+$0x0];
	s23 =	spop (v2sf);
	s31 =	sadd.s32 $0xFFFFFFFF, s26;
	p2 =	sgt.s32 s26, $0x0  }
0xc2: {  	s26 =	sadd.s32 s29, s26;
	s23 =	sadd.s32 s28, s23;
	s28 =	spop (v2sf);
	v10 =	vmov s31  }
0xc3: {  	v7 =	vsub.s32 s23, v7;
	s28 =	sadd.s32 s28, s23;
	vm0 =	veq.s32 v10, v2;
	s23 =	sadd.s32 $0x10, s26;
	s26 =	spop (v2sf)  }
0xc4: {  	p3 =	por p3, p2;
	v10 =	vld [tilespmem:s25+$0xFFFFFFF0];
	v13 =	vadd.s32 v5, v7;
	v8 =	vsub.s32 s28, v8;
	v11 =	vnsel vm0, $0x0, v4;
	s31 =	sadd.s32 $0xFFFFFFFF, s26;
	p6 =	sgt.s32 s26, $0x0;
	v4 =	vmovc v7  }
0xc5: {  	p2 =	por !p2, !p0;
	p0 =	por !p3, !p3;
	vm0 =	vgt.s32 v13, $0x665;
	v12 =	vadd.s32 v6, v8;
	v6 =	vmov s31;
	(xrf0) =	vadd.scan.msk.s32 $0xffff, v11;
	s31 =	spop (v2sf)  }
0xc6: {  	p2 =	por !p2, !p2;
	p3 =	por p3, p6;
	(xrf0) =	vadd.scan.msk.s32 $0xffff, v9;
	v7 =	vsel vm0, $0x1, v0;
	vm0 =	vgt.s32 v12, $0x665;
	vm1 =	veq.s32 v6, v2;
	s22 =	smov.u32 @p4 s31;
	v5 =	vmovc v9  }
0xc7: {  	p5 =	slt.u32 s30, $0x6;
	s24 =	smov.u32 @p2 s23;
	p4 =	por !p6, !p0;
	v9 =	vsel vm0, $0x1, v0;
	(xrf0) =	vadd.scan.msk.s32 $0xffff, v7;
	v7 =	vnsel vm1, $0x0, v3;
	v3 =	vmov v8  }
0xc8: {  	s23 =	smov.u32 s29;
	(xrf0) =	vadd.scan.msk.s32 $0xffff, v9  }
0xc9: {  	(xrf0) =	vadd.scan.msk.s32 $0xffff, v10;
	v6 =	vmov v10  }
0xca: {  	(xrf0) =	vadd.scan.msk.s32 $0xffff, v7  }
0xcb: {  	v8, _, _ =	vpop (xrf0)  }
0xcc: {  	v7, _, _ =	vpop (xrf0);
	(v2sf) =	vpush v8, $0xF  }
0xcd: {  	v8, _, _ =	vpop (xrf0)  }
0xce: {  	(v2sf) =	vpush v8, $0xF;
	v9, _, _ =	vpop (xrf0)  }
0xcf: {  	(v2sf) =	vpush v7, $0xF;
	v8, _, _ =	vpop (xrf0)  }
0xd0: {  	(v2sf) =	vpush v8, $0xF;
	v10, _, _ =	vpop (xrf0)  }
0xd1: {  	(v2sf) =	vpush v9, $0xF;
	_ =	sdelay $0x1  }
0xd2: {  	(v2sf) =	vpush v10, $0xF;
	_ =	sdelay $0x2  }
.Ltmp3:
0xd3: {  	(pc) =	sbr.rel @p5 .LBB2_9-.Ltmp3, $2  }
0xd4: {  	_ =	sdelay $0x2  }
0xd5: {  	s29 =	sadd.s32 $0xFFFFFFE0, s29  }
0xd6: {  	_ = 	snop  }
0xd7: {  	s25 =	spop (v2sf)  }
0xd8: {  	s30 =	spop (v2sf)  }
0xd9: {  	s31 =	spop (v2sf)  }
0xda: {  	s0 =	sadd.s32 $0xFFFFFFFF, s30;
	s28 =	sadd.s32 s28, s31  }
0xdb: {  	s15 =	spop (v2sf);
	v9 =	vmov s0;
	v7 =	vsub.s32 s28, v7  }
0xdc: {  	s3 =	sadd.s32 s15, s28;
	vm0 =	veq.s32 v9, v2;
	v5 =	vadd.s32 v5, v7  }
0xdd: {  	v8 =	vsub.s32 s3, v8;
	v4 =	vnsel vm0, $0x0, v4;
	vm0 =	vgt.s32 v5, $0x665  }
0xde: {  	v5 =	vadd.s32 v6, v8;
	(xrf0) =	vadd.scan.msk.s32 $0xffff, v4;
	v4 =	vsel vm0, $0x1, v0  }
0xdf: {  	vm0 =	vgt.s32 v5, $0x665;
	(xrf0) =	vadd.scan.msk.s32 $0xffff, v4  }
0xe0: {  	v4 =	vsel vm0, $0x1, v0  }
0xe1: {  	(xrf0) =	vadd.scan.msk.s32 $0xffff, v4;
	_ =	sdelay $0x2  }
0xe2: {  	v4, _, _ =	vpop (xrf0)  }
0xe3: {  	(v2sf) =	vpush v4, $0xF;
	v4, _, _ =	vpop (xrf0)  }
0xe4: {  	(v2sf) =	vpush v4, $0xF  }
0xe5: {  	v4, _, _ =	vpop (xrf0)  }
0xe6: {  	(v2sf) =	vpush v4, $0xF;
	_ =	sdelay $0x5  }
0xe7: {  	p4 =	por !p4, !p4  }
0xe8: {  	p0 =	por !p3, !p3;
	s4 =	sadd.s32 s29, s30;
	p5 =	sgt.s32 s30, $0x0  }
0xe9: {  	s0 =	sadd.s32 s23, s26;
	p6 =	por p3, p5;
	p0 =	por !p5, !p0  }
0xea: {  	s24 =	smov.u32 @p4 s0;
	s0 =	sadd.s32 $0x10, s4;
	s23 =	spop (v2sf)  }
0xeb: {  	p1 =	por !p6, !p6;
	p3 =	por !p0, !p0;
	s15 =	sadd.s32 $0xFFFFFFE0, s29  }
0xec: {  	p5 =	sgt.s32 s23, $0x0;
	s24 =	smov.u32 @p3 s0;
	s26 =	spop (v2sf)  }
0xed: {  	s29 =	sadd.s32 s29, s23;
	p1 =	por !p5, !p1;
	s28 =	spop (v2sf)  }
0xee: {  	p0 =	por p6, p5;
	p5 =	por !p1, !p1;
	s30 =	spop (v2sf)  }
0xef: {  	p1 =	por !p0, !p0;
	s24 =	smov.u32 @p5 s29;
	p6 =	sgt.s32 s30, $0x0  }
0xf0: {  	s3 =	sadd.s32 s15, s30;
	s4 =	spop (v2sf);
	p0 =	por p0, p6  }
0xf1: {  	p1 =	por !p6, !p1;
	p6 =	sgt.s32 s4, $0x0;
	p0 =	por !p0, !p0  }
0xf2: {  	s29 =	sadd.s32 $0x10, s3;
	p6 =	por !p6, !p0;
	p0 =	por !p1, !p1  }
0xf3: {  	s0 =	sadd.s32 s15, s4;
	s24 =	smov.u32 @p0 s29;
	p6 =	por !p6, !p6  }
0xf4: {  	s15 =	sadd.s32 $0xFFFFFFFF, s23;
	s24 =	smov.u32 @p6 s0  }
0xf5: {  	s23 =	sadd.s32 $0xFFFFFFFF, s30;
	v4 =	vmov s15;
	s24 =	sshll.u32 s24, $0x4  }
0xf6: {  	vm0 =	veq.s32 v4, v2;
	v4 =	vmov s23;
	s29 =	sadd.s32 $0xFFFFFFFF, s4;
	v5 =	vld [tilespmem:s24+$0x10000]  }
0xf7: {  	v3 =	vnsel vm0, $0x0, v3;
	vm0 =	veq.s32 v4, v2;
	v4 =	vmov s29  }
0xf8: {  	(xrf0) =	vadd.scan.msk.s32 $0xffff, v3;
	v3 =	vnsel vm0, $0x0, v7;
	vm0 =	veq.s32 v4, v2  }
0xf9: {  	(xrf0) =	vadd.scan.msk.s32 $0xffff, v3;
	v3 =	vnsel vm0, $0x0, v8  }
0xfa: {  	(xrf0) =	vadd.scan.msk.s32 $0xffff, v3  }
0xfb: {  	(xrf0) =	vadd.scan.msk.s32 $0xffff, v5;
	_ =	sdelay $0x2  }
0xfc: {  	v3, _, _ =	vpop (xrf0)  }
0xfd: {  	(v2sf) =	vpush v3, $0xF;
	v3, _, _ =	vpop (xrf0)  }
0xfe: {  	(v2sf) =	vpush v3, $0xF;
	v3, _, _ =	vpop (xrf0)  }
0xff: {  	(v2sf) =	vpush v3, $0xF;
	v3, _, _ =	vpop (xrf0)  }
0x100: {  	(v2sf) =	vpush v3, $0xF;
	_ =	sdelay $0x9  }
0x101: {  	s22 =	smov.u32 @p2 s25  }
0x102: {  	s22 =	smov.u32 @p4 s26  }
0x103: {  	s22 =	smov.u32 @p3 s28;
	s0 =	spop (v2sf)  }
0x104: {  	s22 =	smov.u32 @p5 s0;
	s0 =	spop (v2sf)  }
0x105: {  	s22 =	smov.u32 @p0 s0;
	s0 =	spop (v2sf)  }
0x106: {  	s22 =	smov.u32 @p6 s0;
	s30 =	spop (v2sf)  }
0x107: {  	s0 =	sadd.s32 s22, s30  }
0x108: {  	v3 =	vsub.s32 s0, v3  }
0x109: {  	v4 =	vadd.s32 v5, v3  }
0x10a: {  	vm0 =	vgt.s32 v4, $0x665  }
0x10b: {  	v4 =	vsel vm0, $0x1, v0  }
0x10c: {  	(xrf0) =	vadd.scan.msk.s32 $0xffff, v4;
	_ =	sdelay $0x5  }
0x10d: {  	v4, _, _ =	vpop (xrf0)  }
0x10e: {  	(v2sf) =	vpush v4, $0xF;
	_ =	sdelay $0x6  }
0x10f: {  	v11 =	vld [tilespmem:s20+$0xFFFFFFC0]  }
0x110: {  	v7 =	vld [tilespmem:s20+$0x30]  }
0x111: {  	v8 =	vld [tilespmem:s20+$0xFFFFFFF0]  }
0x112: {  	v4 =	vld [tilespmem:s20+$0xFFFFFFD0]  }
0x113: {  	v5 =	vld [tilespmem:s20+$0x0]  }
0x114: {  	v6 =	vld [tilespmem:s20+$0xFFFFFFE0];
	_ =	sdelay $0x1  }
0x115: {  	v13 =	vimm.s32 $0x0;
	v17 =	vshra.s32 v11, $0x1F;
	v15 =	vshra.s32 v7, $0x1F  }
0x116: {  	v15 =	vor.u32 $0x80000000, v15;
	v16 =	vshra.s32 v8, $0x1F;
	v9 =	vshra.s32 v4, $0x1F;
	s31 =	spop (v2sf)  }
0x117: {  	v7 =	vxor.u32 v7, v15;
	v12 =	vshra.s32 v5, $0x1F;
	v9 =	vor.u32 $0x80000000, v9;
	s23 =	sadd.s32 $0xFFFFFFFF, s31  }
0x118: {  	v12 =	vor.u32 $0x80000000, v12;
	v4 =	vxor.u32 v4, v9;
	v9 =	vshra.s32 v6, $0x1F;
	s22 =	sadd.s32 s24, s23  }
0x119: {  	v22 =	vld [tilespmem:s20+$0x10];
	v14 =	vshrl.u32 v4, $0x15;
	v9 =	vor.u32 $0x80000000, v9;
	v10 =	vmov s22  }
0x11a: {  	v18 =	vld [tilespmem:s20+$0x20];
	v5 =	vxor.u32 v5, v12;
	v9 =	vxor.u32 v6, v9;
	vm0 =	veq.s32 v14, v10  }
0x11b: {  	v6 =	vor.u32 $0x80000000, v16;
	v16 =	vshrl.u32 v5, $0x15;
	v12 =	vsel vm0, $0x1, v0  }
0x11c: {  	v6 =	vxor.u32 v8, v6;
	v8 =	vshrl.u32 v7, $0x15;
	vm1 =	veq.s32 v16, v10;
	(xrf0) =	vadd.scan.msk.s32 $0xffff, v12  }
0x11d: {  	v17 =	vor.u32 $0x80000000, v17;
	vm4 =	veq.s32 v8, v10;
	v12 =	vsel vm1, $0x1, v0  }
0x11e: {  	v19 =	vshra.s32 v22, $0x1F;
	v8 =	vxor.u32 v11, v17;
	v15 =	vsel vm4, $0x1, v0;
	(xrf0) =	vadd.scan.msk.s32 $0xffff, v12  }
0x11f: {  	v11 =	vshrl.u32 v9, $0x15;
	v17 =	vshrl.u32 v8, $0x15;
	(xrf0) =	vadd.scan.msk.s32 $0xffff, v15;
	v15 =	vshra.s32 v18, $0x1F  }
0x120: {  	vm3 =	veq.s32 v11, v10;
	vm7 =	veq.s32 v17, v10;
	v15 =	vor.u32 $0x80000000, v15  }
0x121: {  	v17 =	vshrl.u32 v6, $0x15;
	v20 =	vsel vm7, $0x1, v0;
	v11 =	vxor.u32 v18, v15  }
0x122: {  	v12 =	vor.u32 $0x80000000, v19;
	vm9 =	veq.s32 v17, v10;
	v17 =	vshrl.u32 v11, $0x15;
	v19, _, _ =	vpop (xrf0);
	(xrf0) =	vadd.scan.msk.s32 $0xffff, v20  }
0x123: {  	v21 =	vmpcnt.ones.xlane vm7;
	v15 =	vsel vm3, $0x1, v0;
	v18 =	vsel vm9, $0x1, v0  }
0x124: {  	v14 =	vmpcnt.ones.xlane vm0;
	v16 =	vmpcnt.ones.xlane vm1;
	vm1 =	vmmov vm1;
	(xrf0) =	vadd.scan.msk.s32 $0xffff, v15  }
0x125: {  	v12 =	vxor.u32 v22, v12;
	v21 =	vadd.s32 v13, v21;
	vm2 =	veq.s32 v17, v10;
	v17, _, _ =	vpop (xrf0);
	(xrf0) =	vadd.scan.msk.s32 $0xffff, v18  }
0x126: {  	s20 =	sadd.s32 $0x80, s20;
	s24 =	simm.s32 $0x0;
	v20 =	vmpcnt.ones.xlane vm2;
	v15 =	vmpcnt.ones.xlane vm4;
	v22 =	vsel vm2, $0x1, v0;
	v18, _, _ =	vpop (xrf0)  }
.LBB2_11:
0x127: {  	v19 =	vadd.s32 v19, v21;
	v24 =	vmpcnt.ones.xlane vm9;
	v25 =	vshrl.u32 v12, $0x15  }
0x128: {  	v23 =	vld [tilespmem:s20+$0xFFFFFFD0];
	s24 =	sadd.s32 $0x8, s24;
	v26, _, _ =	vpop (xrf0);
	vm8 =	vmmov vm4;
	vm6 =	vmmov vm7;
	vm5 =	vmmov vm9  }
0x129: {  	v31 =	vmpcnt.ones.xlane vm3;
	v27 =	vld [tilespmem:s20+$0x0];
	p2 =	slt.u32 s24, $0x7F8;
	v19 =	vadd.s32 $0xFFFFFFFF, v19;
	vm9 =	veq.s32 v25, v10  }
0x12a: {  	v14 =	vadd.s32 v21, v14;
	v25 =	vld [tilespmem:s20+$0xFFFFFFE0];
	v21 =	vsel vm9, $0x1, v0;
	v29 =	vmpcnt.ones.xlane vm9;
	v30, _, _ =	vpop (xrf0);
	(xrf0) =	vadd.scan.msk.s32 $0xffff, v22  }
0x12b: {  	v13 =	vadd.s32 v26, v13;
	v22 =	vld [tilespmem:s20+$0x30];
	v26 =	vadd.s32 v30, v14;
	v14 =	vadd.s32 v14, v31;
	v28, _, _ =	vpop (xrf0);
	(xrf0) =	vadd.scan.msk.s32 $0xffff, v21  }
0x12c: {  	v21 =	vld [tilespmem:s20+$0xFFFFFFF0];
	v26 =	vadd.s32 $0xFFFFFFFF, v26;
	v28 =	vadd.s32 v28, v14;
	v14 =	vadd.s32 v14, v24  }
0x12d: {  	v24 =	vshra.s32 v23, $0x1F;
	v30 =	vld [tilespmem:s20+$0x20];
	v17 =	vadd.s32 v17, v14;
	v14 =	vadd.s32 v14, v16  }
0x12e: {  	v16 =	vld [tilespmem:s20+$0xFFFFFFC0];
	v24 =	vor.u32 $0x80000000, v24;
	v31 =	vshra.s32 v27, $0x1F;
	[tilespmem:v19+s14+$0x0] =	vst.idx.msk vm0, v4;
	v19 =	vadd.s32 v14, v29  }
0x12f: {  	v4 =	vxor.u32 v23, v24;
	v23 =	vshra.s32 v25, $0x1F;
	v20 =	vadd.s32 v19, v20  }
0x130: {  	v24 =	vshrl.u32 v4, $0x15;
	v29 =	vld [tilespmem:s20+$0x10];
	v32 =	vshra.s32 v22, $0x1F;
	v18 =	vadd.s32 v18, v20;
	v33, _, _ =	vpop (xrf0)  }
0x131: {  	vm0 =	veq.s32 v24, v10;
	v24 =	vshra.s32 v21, $0x1F;
	[tilespmem:v26+s14+$0x0] =	vst.idx.msk vm3, v9;
	v19 =	vadd.s32 v33, v19;
	v9, _, _ =	vpop (xrf0)  }
0x132: {  	v23 =	vor.u32 $0x80000000, v23;
	v26 =	vor.u32 $0x80000000, v32;
	v32 =	vadd.s32 v9, v14  }
0x133: {  	v31 =	vor.u32 $0x80000000, v31;
	v14 =	vmpcnt.ones.xlane vm0;
	v9 =	vshra.s32 v16, $0x1F  }
0x134: {  	v33 =	vor.u32 $0x80000000, v9;
	v9 =	vxor.u32 v25, v23;
	v23 =	vxor.u32 v27, v31  }
0x135: {  	v24 =	vor.u32 $0x80000000, v24;
	v25 =	vsel vm0, $0x1, v0;
	v27 =	vshra.s32 v29, $0x1F  }
0x136: {  	v22 =	vxor.u32 v22, v26;
	v21 =	vxor.u32 v21, v24;
	v24 =	vshrl.u32 v23, $0x15;
	(xrf0) =	vadd.scan.msk.s32 $0xffff, v25  }
0x137: {  	vm10 =	veq.s32 v24, v10;
	v24 =	vshrl.u32 v22, $0x15;
	v25 =	vadd.s32 $0xFFFFFFFF, v32  }
0x138: {  	v26 =	vsel vm10, $0x1, v0;
	vm4 =	veq.s32 v24, v10;
	v24 =	vadd.s32 $0xFFFFFFFF, v19  }
0x139: {  	v31 =	vxor.u32 v16, v33;
	v32 =	vshrl.u32 v9, $0x15;
	v19 =	vsel vm4, $0x1, v0;
	(xrf0) =	vadd.scan.msk.s32 $0xffff, v26  }
0x13a: {  	v18 =	vadd.s32 $0xFFFFFFFF, v18;
	v16 =	vmpcnt.ones.xlane vm10;
	v26 =	vor.u32 $0x80000000, v27  }
0x13b: {  	v28 =	vadd.s32 $0xFFFFFFFF, v28;
	v33 =	vadd.s32 $0xFFFFFFFF, v17;
	v27 =	vshrl.u32 v31, $0x15;
	(xrf0) =	vadd.scan.msk.s32 $0xffff, v19  }
0x13c: {  	v17 =	vshrl.u32 v21, $0x15;
	vm7 =	veq.s32 v27, v10;
	v27 =	vadd.s32 $0xFFFFFFFF, v13;
	v19, _, _ =	vpop (xrf0);
	[tilespmem:v25+s14+$0x0] =	vst.idx.msk vm9, v12  }
0x13d: {  	vm3 =	veq.s32 v32, v10;
	v13 =	vshra.s32 v30, $0x1F;
	v12 =	vsel vm7, $0x1, v0;
	[tilespmem:v24+s14+$0x0] =	vst.idx.msk vm2, v11  }
0x13e: {  	v24 =	vsel vm3, $0x1, v0;
	v11 =	vor.u32 $0x80000000, v13;
	v13 =	vadd.s32 v20, v15;
	(xrf0) =	vadd.scan.msk.s32 $0xffff, v12  }
.Ltmp4:
0x13f: {  	vm9 =	veq.s32 v17, v10;
	v11 =	vxor.u32 v30, v11;
	v17, _, _ =	vpop (xrf0);
	[tilespmem:v18+s14+$0x0] =	vst.idx.msk vm8, v7;
	v7 =	vmov v22;
	(pc) =	sbr.rel @p2 .LBB2_11-.Ltmp4, $4  }
0x140: {  	v12 =	vsel vm9, $0x1, v0;
	v15 =	vshrl.u32 v11, $0x15;
	(xrf0) =	vadd.scan.msk.s32 $0xffff, v24;
	[tilespmem:v33+s14+$0x0] =	vst.idx.msk vm1, v5;
	v5 =	vmovc v23  }
0x141: {  	v22 =	vmpcnt.ones.xlane vm7;
	vm2 =	veq.s32 v15, v10;
	(xrf0) =	vadd.scan.msk.s32 $0xffff, v12;
	v18, _, _ =	vpop (xrf0);
	[tilespmem:v27+s14+$0x0] =	vst.idx.msk vm6, v8  }
0x142: {  	v15 =	vmpcnt.ones.xlane vm4;
	vm1 =	vmmov vm10;
	v20 =	vmpcnt.ones.xlane vm2;
	v8 =	vmovc v31;
	[tilespmem:v28+s14+$0x0] =	vst.idx.msk vm5, v6;
	v6 =	vmovc v21  }
0x143: {  	s20 =	sadd.s32 $0x80, s20;
	v12 =	vxor.u32 v29, v26;
	v21 =	vadd.s32 v13, v22;
	v22 =	vsel vm2, $0x1, v0  }
0x144: {  	v23 =	vmpcnt.ones.xlane vm3  }
0x145: {  	v24 =	vmpcnt.ones.xlane vm9;
	v25 =	vshrl.u32 v12, $0x15;
	v14 =	vadd.s32 v21, v14  }
0x146: {  	vm5 =	veq.s32 v25, v10;
	v52 =	vadd.s32 v14, v23  }
0x147: {  	v53 =	vmpcnt.ones.xlane vm5;
	v24 =	vadd.s32 v52, v24  }
0x148: {  	v16 =	vadd.s32 v24, v16  }
0x149: {  	v54 =	vmov s23;
	v23 =	vadd.s32 v16, v53  }
0x14a: {  	(xrf0) =	vadd.scan.msk.s32 $0xffff, v22;
	vm6 =	veq.s32 v54, v2;
	v26 =	vsel vm5, $0x1, v0;
	v20 =	vadd.s32 v23, v20  }
0x14b: {  	v55 =	vnsel vm6, $0x0, v3;
	(xrf0) =	vadd.scan.msk.s32 $0xffff, v26;
	v3 =	vadd.s32 v20, v15  }
0x14c: {  	(xrf0) =	vadd.scan.msk.s32 $0xffff, v55;
	v15 =	vxor.u32 $0x80000000, v3  }
0x14d: {  	v56, _, _ =	vpop (xrf0);
	(xrf0) =	vmax.scan.msk.u32 $0xffff, v15  }
0x14e: {  	v57, _, _ =	vpop (xrf0)  }
0x14f: {  	v58, _, _ =	vpop (xrf0)  }
0x150: {  	v19 =	vadd.s32 v19, v21;
	v59, _, _ =	vpop (xrf0)  }
0x151: {  	v19 =	vadd.s32 $0xFFFFFFFF, v19;
	v27, _, _ =	vpop (xrf0)  }
0x152: {  	v13 =	vadd.s32 v56, v13;
	v28, _, _ =	vpop (xrf0)  }
0x153: {  	v63 =	vadd.s32 $0xFFFFFFFF, v13;
	v14 =	vadd.s32 v57, v14;
	(v2sf) =	vpush v28, $0xF;
	v60, _, _ =	vpop (xrf0)  }
0x154: {  	v14 =	vadd.s32 $0xFFFFFFFF, v14;
	v10 =	vadd.s32 v58, v52;
	(v2sf) =	vpush v60, $0xF  }
0x155: {  	v17 =	vadd.s32 v17, v24;
	v10 =	vadd.s32 $0xFFFFFFFF, v10  }
0x156: {  	vm4 =	vmmov vm4;
	[tilespmem:v19+s14+$0x0] =	vst.idx.msk vm0, v4;
	v4 =	vadd.s32 $0xFFFFFFFF, v17;
	v18 =	vadd.s32 v18, v20  }
0x157: {  	v62 =	vadd.s32 v59, v23;
	v18 =	vadd.s32 $0xFFFFFFFF, v18  }
0x158: {  	[tilespmem:v63+s14+$0x0] =	vst.idx.msk vm7, v8;
	v61 =	vadd.s32 v27, v16;
	v16 =	vadd.s32 $0xFFFFFFFF, v62  }
0x159: {  	[tilespmem:v14+s14+$0x0] =	vst.idx.msk vm3, v9;
	v15 =	vadd.s32 $0xFFFFFFFF, v61  }
0x15a: {  	[tilespmem:v10+s14+$0x0] =	vst.idx.msk vm9, v6  }
0x15b: {  	[tilespmem:v4+s14+$0x0] =	vst.idx.msk vm1, v5  }
0x15c: {  	[tilespmem:v18+s14+$0x0] =	vst.idx.msk vm4, v7  }
0x15d: {  	[tilespmem:v16+s14+$0x0] =	vst.idx.msk vm2, v11  }
0x15e: {  	[tilespmem:v15+s14+$0x0] =	vst.idx.msk vm5, v12  }
0x15f: {  	s0 =	sld [smem:$0x7FC];
	_ =	sdelay $0x2  }
0x160: {  	p1 =	seq.s32 s0, $0x1;
	s20 =	spop (v2sf)  }
0x161: {  	s0 =	simm.s32 @!p1 $0x2;
	s30 =	spop (v2sf)  }
0x162: {  	p0 =	seq.s32 @!p1 s18, $0x3;
	_ =	swait.ge @!p1 [sflag:s0], $0x8000  }
0x163: {  	p0 =	por p1, !p0;
	[sflag:s0] =	ssyncset.done @!p1 $0x0  }
0x164: {  	[sflag:s0] =	ssyncadd.s32 @!p1 $0xFFFF8000;
	s0 =	sadd.s32 @p0 $0x1, s21  }
0x165: {  	s21 =	sshll.u32 @p0 s0, $0x4  }
0x166: {  	s0 =	sshll.u32 @p0 s0, $0xC;
	s21 =	sand.u32 @p0 $0x70, s21  }
0x167: {  	s0 =	sand.u32 @p0 $0xFFF8000, s0;
	s21 =	sadd.s32 @p0 s1, s21  }
0x168: {  	s0 =	sadd.s32 @p0 s0, s21;
	s21 =	simm.s32 $0x10040  }
0x169: {  	[tilespmem:s19], [sflag:$0x1] =	stream.strided.gather @p0 [hbm4b:s0+s9], $0x8000, s10, s9, $0x38;
	[tilespmem:$0x18880] =	vst v63  }
0x16a: {  	[tilespmem:s21+$0xFFFFFFC0] =	vst v0  }
0x16b: {  	[tilespmem:s21+$0x30] =	vst v0  }
0x16c: {  	[tilespmem:s21+$0x20] =	vst v0  }
0x16d: {  	[tilespmem:s21+$0x10] =	vst v0  }
0x16e: {  	[tilespmem:s21+$0x0] =	vst v0  }
0x16f: {  	s31 =	sadd.s32 $0x8000000F, s30;
	[tilespmem:s21+$0xFFFFFFF0] =	vst v0  }
0x170: {  	vm14 =	vmmov vm7;
	vm15 =	vmmov vm9;
	s23 =	simm.s32 $0x0;
	s19 =	ssub.s32 $0x666, s20;
	s20 =	sshrl.u32 s31, $0x4;
	[tilespmem:s21+$0xFFFFFFE0] =	vst v0  }
.LBB2_13:
0x171: {  	s23 =	sadd.s32 $0x8, s23;
	[tilespmem:s21+$0xFFFFFFD0] =	vst v0;
	s21 =	sadd.s32 $0x80, s21  }
0x172: {  	[tilespmem:s21+$0xFFFFFFC0] =	vst v0;
	p0 =	slt.u32 s23, $0x78  }
0x173: {  	[tilespmem:s21+$0x30] =	vst v0  }
.Ltmp5:
0x174: {  	[tilespmem:s21+$0x20] =	vst v0;
	(pc) =	sbr.rel @p0 .LBB2_13-.Ltmp5, $4  }
0x175: {  	[tilespmem:s21+$0x10] =	vst v0  }
0x176: {  	[tilespmem:s21+$0x0] =	vst v0  }
0x177: {  	[tilespmem:s21+$0xFFFFFFF0] =	vst v0  }
0x178: {  	[tilespmem:s21+$0xFFFFFFE0] =	vst v0  }
0x179: {  	[tilespmem:s21+$0xFFFFFFD0] =	vst v0  }
0x17a: {  	[tilespmem:$0x18800] =	vst v0  }
0x17b: {  	[tilespmem:$0x18810] =	vst v0  }
0x17c: {  	p0 =	seq.s32 s20, $0x0;
	[tilespmem:$0x18820] =	vst v0  }
.Ltmp6:
0x17d: {  	[tilespmem:$0x18830] =	vst v0;
	(pc) =	sbr.rel @p0 .LBB2_20-.Ltmp6, $4  }
0x17e: {  	[tilespmem:$0x18840] =	vst v0  }
0x17f: {  	[tilespmem:$0x18850] =	vst v0;
	s0 =	simm.s32 @!p0 $0x0  }
0x180: {  	[tilespmem:$0x18860] =	vst v0;
	s0 =	simm.s32 @p0 $0x1  }
0x181: {  	[tilespmem:$0x18870] =	vst v0;
	[smem:$0x7FB] =	sst s0  }
0x182: {  	p0 =	seq.s32 s20, $0x1  }
.Ltmp7:
0x183: {  	_ = 	snop;
	(pc) =	sbr.rel @p0 .LBB2_16-.Ltmp7, $3  }
0x184: {  	_ =	sdelay $0x1  }
0x185: {  	s23 =	simm.s32 $0x10800;
	s21 =	simm.s32 $0x0  }
0x186: {  	s24 =	simm.s32 $0x10810;
	p2 =	por $0x0, $0x0;
	v6 =	vld [tilespmem:s23+$0x0];
	s23 =	sadd.s32 $0xFFFFFFFF, s20  }
0x187: {  	_ =	sdelay $0x2  }
0x188: {  	v4 =	vor.u32 s21, v2;
	p0 =	seq.s32 s23, $0x1  }
.Ltmp8:
0x189: {  	vm0 =	vlt.s32 v4, v3;
	v5 =	vshrl.u32 v6, $0xA;
	(pc) =	sbr.rel @p0 .LBB2_19-.Ltmp8, $4  }
0x18a: {  	vm1 =	vmmov vm0;
	v7 =	vshrl.u32 v6, $0xE;
	v6 =	vld [tilespmem:s24+$0x0];
	v4 =	vand.u32 $0x7FF, v5  }
0x18b: {  	v5 =	vand.u32 $0x7F, v7  }
0x18c: {  	s23 =	sadd.s32 $0xFFFFFFFF, s23  }
0x18d: {  	s21 =	simm.s32 $0x10;
	p2 =	por $0x1, $0x1;
	s24 =	simm.s32 $0x10820  }
.LBB2_18:
0x18e: {  	v7 =	vld [tilespmem:s24+$0x0];
	v8 =	vor.u32 s21, v2;
	p0 =	seq.s32 s23, $0x1  }
.Ltmp9:
0x18f: {  	v9 =	vshrl.u32 v6, $0xA;
	[tilespmem:v4+s12+$0x0] =	vst.idx.add.s32.msk vm0, v1;
	vm0 =	vlt.s32 v8, v3;
	(pc) =	sbr.rel @!p0 .LBB2_18-.Ltmp9, $3  }
0x190: {  	v6 =	vshrl.u32 v6, $0xE;
	v4 =	vand.u32 $0x7FF, v9;
	[tilespmem:v5+s13+$0x0] =	vst.idx.add.s32.msk vm1, v1;
	vm1 =	vmmov vm0  }
0x191: {  	s23 =	sadd.s32 $0xFFFFFFFF, s23;
	v5 =	vand.u32 $0x7F, v6;
	_ =	sdelay $0x1  }
0x192: {  	s24 =	sadd.s32 $0x10, s24;
	s21 =	sadd.s32 $0x10, s21;
	v6 =	vmov v7  }
.LBB2_19:
0x193: {  	v7 =	vor.u32 s21, v2  }
0x194: {  	v8 =	vshrl.u32 v6, $0xA;
	vm2 =	vlt.s32 v7, v3  }
0x195: {  	v63 =	vshrl.u32 v6, $0xE;
	v62 =	vand.u32 $0x7FF, v8  }
0x196: {  	v6 =	vand.u32 $0x7F, v63;
	_ =	sdelay $0x1  }
0x197: {  	[tilespmem:v4+s12+$0x0] =	vst.idx.add.s32.msk @p2 vm0, v1  }
0x198: {  	[tilespmem:v5+s13+$0x0] =	vst.idx.add.s32.msk @p2 vm1, v1  }
0x199: {  	[tilespmem:v62+s12+$0x0] =	vst.idx.add.s32.msk vm2, v1  }
0x19a: {  	vm3 =	vmmov vm2;
	[tilespmem:v6+s13+$0x0] =	vst.idx.add.s32.msk vm2, v1  }
.LBB2_20:
0x19b: {  	s23 =	simm.s32 $0x18870  }
0x19c: {  	v5 =	vld [tilespmem:s23+$0x0]  }
0x19d: {  	v6 =	vld [tilespmem:s23+$0xFFFFFFF0];
	_ =	sdelay $0x3  }
0x19e: {  	(xrf0) =	vadd.scan.msk.s32 $0xffff, v5  }
0x19f: {  	(xrf0) =	vadd.scan.msk.s32 $0xffff, v6;
	_ =	sdelay $0x4  }
0x1a0: {  	v7, _, _ =	vpop (xrf0)  }
0x1a1: {  	(v2sf) =	vpush v7, $0xF;
	v8, _, _ =	vpop (xrf0)  }
0x1a2: {  	(v2sf) =	vpush v8, $0xF;
	_ =	sdelay $0xc  }
0x1a3: {  	s0 =	simm.s32 $0x18850  }
0x1a4: {  	v9 =	vld [tilespmem:s0+$0x0];
	s31 =	spop (v2sf)  }
0x1a5: {  	s23 =	sadd.s32 $0x0, s31;
	s25 =	spop (v2sf)  }
0x1a6: {  	v10 =	vsub.s32 s23, v7;
	s23 =	sadd.s32 s25, s23  }
0x1a7: {  	v4 =	vmov s19;
	v11 =	vld [tilespmem:s0+$0xFFFFFFF0];
	v5 =	vadd.s32 v5, v10;
	v12 =	vsub.s32 s23, v8  }
0x1a8: {  	vm0 =	vge.s32 v5, v4;
	v5 =	vadd.s32 v6, v12  }
0x1a9: {  	(xrf0) =	vadd.scan.msk.s32 $0xffff, v9;
	v6 =	vsel vm0, $0x1, v0;
	vm11 =	vge.s32 v5, v4  }
0x1aa: {  	v5 =	vsel vm11, $0x1, v0;
	(xrf0) =	vadd.scan.msk.s32 $0xffff, v6  }
0x1ab: {  	(xrf0) =	vadd.scan.msk.s32 $0xffff, v5  }
0x1ac: {  	(xrf0) =	vadd.scan.msk.s32 $0xffff, v11;
	_ =	sdelay $0x2  }
0x1ad: {  	v5, _, _ =	vpop (xrf0)  }
0x1ae: {  	v6, _, _ =	vpop (xrf0)  }
0x1af: {  	(v2sf) =	vpush v6, $0xF;
	v6, _, _ =	vpop (xrf0)  }
0x1b0: {  	(v2sf) =	vpush v5, $0xF;
	v13, _, _ =	vpop (xrf0)  }
0x1b1: {  	(v2sf) =	vpush v13, $0xF;
	_ =	sdelay $0x2  }
0x1b2: {  	(v2sf) =	vpush v6, $0xF;
	_ =	sdelay $0x9  }
0x1b3: {  	s28 =	simm.s32 $0x18830;
	s3 =	spop (v2sf)  }
0x1b4: {  	v7 =	vld [tilespmem:s28+$0x0];
	s4 =	spop (v2sf);
	s26 =	sadd.s32 $0xFFFFFFFF, s3  }
0x1b5: {  	s23 =	sadd.s32 s23, s4;
	s15 =	spop (v2sf);
	v8 =	vmov s26  }
0x1b6: {  	v6 =	vsub.s32 s23, v5;
	s29 =	sadd.s32 s15, s23;
	vm12 =	veq.s32 v8, v2  }
0x1b7: {  	v8 =	vld [tilespmem:s28+$0xFFFFFFF0];
	v9 =	vadd.s32 v9, v6;
	v5 =	vsub.s32 s29, v13;
	v10 =	vnsel vm12, $0x0, v10  }
0x1b8: {  	s26 =	spop (v2sf);
	vm13 =	vge.s32 v9, v4;
	v9 =	vadd.s32 v11, v5;
	(xrf0) =	vadd.scan.msk.s32 $0xffff, v10  }
0x1b9: {  	s31 =	sadd.s32 $0xFFFFFFFF, s26;
	(xrf0) =	vadd.scan.msk.s32 $0xffff, v7;
	v10 =	vsel vm13, $0x1, v0;
	vm14 =	vge.s32 v9, v4  }
0x1ba: {  	v9 =	vsel vm14, $0x1, v0;
	(xrf0) =	vadd.scan.msk.s32 $0xffff, v10;
	v10 =	vmov s31  }
0x1bb: {  	(xrf0) =	vadd.scan.msk.s32 $0xffff, v9;
	vm15 =	veq.s32 v10, v2  }
0x1bc: {  	(xrf0) =	vadd.scan.msk.s32 $0xffff, v8;
	v9 =	vnsel vm15, $0x0, v12;
	_ =	sdelay $0x1  }
0x1bd: {  	v10, _, _ =	vpop (xrf0)  }
0x1be: {  	(xrf0) =	vadd.scan.msk.s32 $0xffff, v9;
	v9, _, _ =	vpop (xrf0);
	(v2sf) =	vpush v10, $0xF  }
0x1bf: {  	v10, _, _ =	vpop (xrf0)  }
0x1c0: {  	(v2sf) =	vpush v10, $0xF;
	v11, _, _ =	vpop (xrf0)  }
0x1c1: {  	(v2sf) =	vpush v9, $0xF;
	v10, _, _ =	vpop (xrf0)  }
0x1c2: {  	(v2sf) =	vpush v10, $0xF  }
0x1c3: {  	(v2sf) =	vpush v11, $0xF  }
0x1c4: {  	v63, _, _ =	vpop (xrf0)  }
0x1c5: {  	(v2sf) =	vpush v63, $0xF;
	_ =	sdelay $0x1  }
0x1c6: {  	p2 =	por $0x0, $0x0;
	s21 =	simm.s32 $0x0;
	s24 =	simm.s32 $0x5F  }
0x1c7: {  	s30 =	simm.s32 $0x4;
	p3 =	por !p2, !p2;
	p0 =	sgt.s32 s3, $0x0  }
0x1c8: {  	s25 =	simm.s32 $0x3F;
	s0 =	sadd.s32 $0x5F, s3;
	p4 =	por p2, p0  }
0x1c9: {  	s0 =	sadd.s32 $0x10, s0;
	p0 =	por !p0, !p3;
	p6 =	por !p4, !p4  }
0x1ca: {  	p2 =	por !p0, !p0;
	s23 =	simm.s32 $0x0;
	p5 =	sgt.s32 s26, $0x0  }
0x1cb: {  	s23 =	smov.u32 @p2 s0;
	p3 =	por p4, p5;
	p4 =	por !p5, !p6  }
.LBB2_21:
0x1cc: {  	s30 =	sadd.s32 $0x2, s30;
	s28 =	sadd.s32 $0xFFFFFFE0, s28;
	s0 =	spop (v2sf)  }
0x1cd: {  	p4 =	por !p4, !p4;
	s21 =	smov.u32 @p2 s0;
	s0 =	sadd.s32 s24, s26  }
0x1ce: {  	p0 =	por !p3, !p3;
	s24 =	spop (v2sf);
	s23 =	smov.u32 @p4 s0  }
0x1cf: {  	v11 =	vld [tilespmem:s28+$0x0];
	s0 =	spop (v2sf);
	s26 =	sadd.s32 $0xFFFFFFFF, s24;
	p2 =	sgt.s32 s24, $0x0  }
0x1d0: {  	s24 =	sadd.s32 s25, s24;
	s0 =	sadd.s32 s29, s0;
	s29 =	spop (v2sf);
	v12 =	vmov s26  }
0x1d1: {  	v9 =	vsub.s32 s0, v9;
	s29 =	sadd.s32 s29, s0;
	vm0 =	veq.s32 v12, v2;
	s0 =	sadd.s32 $0x10, s24;
	s26 =	spop (v2sf)  }
0x1d2: {  	p3 =	por p3, p2;
	v12 =	vld [tilespmem:s28+$0xFFFFFFF0];
	v15 =	vadd.s32 v7, v9;
	v10 =	vsub.s32 s29, v10;
	v13 =	vnsel vm0, $0x0, v6;
	s24 =	sadd.s32 $0xFFFFFFFF, s26;
	p6 =	sgt.s32 s26, $0x0;
	v6 =	vmovc v9  }
0x1d3: {  	p2 =	por !p2, !p0;
	p0 =	por !p3, !p3;
	vm0 =	vge.s32 v15, v4;
	v14 =	vadd.s32 v8, v10;
	v8 =	vmov s24;
	(xrf0) =	vadd.scan.msk.s32 $0xffff, v13;
	s24 =	spop (v2sf)  }
0x1d4: {  	p2 =	por !p2, !p2;
	p3 =	por p3, p6;
	(xrf0) =	vadd.scan.msk.s32 $0xffff, v11;
	v9 =	vsel vm0, $0x1, v0;
	vm0 =	vge.s32 v14, v4;
	vm1 =	veq.s32 v8, v2;
	s21 =	smov.u32 @p4 s24;
	v7 =	vmovc v11  }
0x1d5: {  	p5 =	slt.u32 s30, $0x6;
	s23 =	smov.u32 @p2 s0;
	p4 =	por !p6, !p0;
	v11 =	vsel vm0, $0x1, v0;
	(xrf0) =	vadd.scan.msk.s32 $0xffff, v9;
	v9 =	vnsel vm1, $0x0, v5;
	v5 =	vmov v10  }
0x1d6: {  	s24 =	smov.u32 s25;
	(xrf0) =	vadd.scan.msk.s32 $0xffff, v11  }
0x1d7: {  	(xrf0) =	vadd.scan.msk.s32 $0xffff, v12;
	v8 =	vmov v12  }
0x1d8: {  	(xrf0) =	vadd.scan.msk.s32 $0xffff, v9  }
0x1d9: {  	v10, _, _ =	vpop (xrf0)  }
0x1da: {  	v9, _, _ =	vpop (xrf0);
	(v2sf) =	vpush v10, $0xF  }
0x1db: {  	v10, _, _ =	vpop (xrf0)  }
0x1dc: {  	(v2sf) =	vpush v10, $0xF;
	v11, _, _ =	vpop (xrf0)  }
0x1dd: {  	(v2sf) =	vpush v9, $0xF;
	v10, _, _ =	vpop (xrf0)  }
0x1de: {  	(v2sf) =	vpush v10, $0xF;
	v12, _, _ =	vpop (xrf0)  }
0x1df: {  	(v2sf) =	vpush v11, $0xF;
	_ =	sdelay $0x1  }
0x1e0: {  	(v2sf) =	vpush v12, $0xF;
	_ =	sdelay $0x2  }
.Ltmp10:
0x1e1: {  	(pc) =	sbr.rel @p5 .LBB2_21-.Ltmp10, $2  }
0x1e2: {  	_ =	sdelay $0x2  }
0x1e3: {  	s25 =	sadd.s32 $0xFFFFFFE0, s25  }
0x1e4: {  	_ = 	snop  }
0x1e5: {  	s28 =	spop (v2sf)  }
0x1e6: {  	s0 =	spop (v2sf)  }
0x1e7: {  	s30 =	spop (v2sf)  }
0x1e8: {  	s31 =	sadd.s32 $0xFFFFFFFF, s0;
	s29 =	sadd.s32 s29, s30;
	s15 =	spop (v2sf)  }
0x1e9: {  	v11 =	vmov s31;
	v9 =	vsub.s32 s29, v9;
	s29 =	sadd.s32 s15, s29  }
0x1ea: {  	vm0 =	veq.s32 v11, v2;
	v7 =	vadd.s32 v7, v9;
	v10 =	vsub.s32 s29, v10  }
0x1eb: {  	v6 =	vnsel vm0, $0x0, v6;
	vm11 =	vge.s32 v7, v4;
	v7 =	vadd.s32 v8, v10  }
0x1ec: {  	(xrf0) =	vadd.scan.msk.s32 $0xffff, v6;
	v6 =	vsel vm11, $0x1, v0;
	vm12 =	vge.s32 v7, v4  }
0x1ed: {  	v7 =	vsel vm12, $0x1, v0;
	(xrf0) =	vadd.scan.msk.s32 $0xffff, v6  }
0x1ee: {  	(xrf0) =	vadd.scan.msk.s32 $0xffff, v7;
	_ =	sdelay $0x3  }
0x1ef: {  	v6, _, _ =	vpop (xrf0)  }
0x1f0: {  	(v2sf) =	vpush v6, $0xF;
	v6, _, _ =	vpop (xrf0)  }
0x1f1: {  	(v2sf) =	vpush v6, $0xF;
	v6, _, _ =	vpop (xrf0)  }
0x1f2: {  	(v2sf) =	vpush v6, $0xF;
	_ =	sdelay $0xa  }
0x1f3: {  	s31 =	spop (v2sf)  }
0x1f4: {  	s30 =	spop (v2sf)  }
0x1f5: {  	s29 =	spop (v2sf)  }
0x1f6: {  	s4 =	sadd.s32 $0xFFFFFFFF, s31;
	s15 =	spop (v2sf)  }
0x1f7: {  	v6 =	vmov s4;
	s4 =	sadd.s32 $0xFFFFFFFF, s15;
	s3 =	spop (v2sf)  }
0x1f8: {  	vm13 =	veq.s32 v6, v2;
	v6 =	vmov s4;
	s4 =	sadd.s32 $0xFFFFFFFF, s3  }
0x1f9: {  	v5 =	vnsel vm13, $0x0, v5;
	v7 =	vmov s4;
	vm14 =	veq.s32 v6, v2  }
0x1fa: {  	(xrf0) =	vadd.scan.msk.s32 $0xffff, v5;
	v5 =	vnsel vm14, $0x0, v9;
	vm15 =	veq.s32 v7, v2  }
0x1fb: {  	(xrf0) =	vadd.scan.msk.s32 $0xffff, v5;
	v5 =	vnsel vm15, $0x0, v10  }
0x1fc: {  	(xrf0) =	vadd.scan.msk.s32 $0xffff, v5;
	_ =	sdelay $0x2  }
0x1fd: {  	p0 =	sgt.s32 s0, $0x0  }
0x1fe: {  	p5 =	por p3, p0;
	v5, _, _ =	vpop (xrf0)  }
0x1ff: {  	p1 =	por !p3, !p3;
	p3 =	por !p5, !p5;
	p6 =	sgt.s32 s31, $0x0;
	(v2sf) =	vpush v5, $0xF;
	v5, _, _ =	vpop (xrf0)  }
0x200: {  	p4 =	por !p4, !p4;
	p0 =	por !p0, !p1;
	p1 =	por !p6, !p3;
	(v2sf) =	vpush v5, $0xF;
	v5, _, _ =	vpop (xrf0)  }
0x201: {  	s0 =	sadd.s32 s25, s0;
	p3 =	por !p1, !p1;
	p1 =	por p5, p6;
	(v2sf) =	vpush v5, $0xF  }
0x202: {  	s0 =	sadd.s32 $0x10, s0;
	p6 =	por !p1, !p1;
	p5 =	sgt.s32 s15, $0x0  }
0x203: {  	p0 =	por !p0, !p0;
	p1 =	por p1, p5;
	p5 =	por !p5, !p6  }
0x204: {  	p6 =	sgt.s32 s3, $0x0;
	s4 =	sadd.s32 s24, s26;
	p1 =	por !p1, !p1  }
0x205: {  	s26 =	sadd.s32 $0xFFFFFFE0, s25;
	s23 =	smov.u32 @p4 s4;
	p1 =	por !p6, !p1  }
0x206: {  	s23 =	smov.u32 @p0 s0;
	s0 =	sadd.s32 s25, s31;
	s31 =	sadd.s32 s26, s15  }
0x207: {  	p6 =	por !p5, !p5;
	s23 =	smov.u32 @p3 s0;
	s4 =	sadd.s32 $0x10, s31  }
0x208: {  	p5 =	por !p1, !p1;
	s0 =	sadd.s32 s26, s3;
	s23 =	smov.u32 @p6 s4  }
0x209: {  	s23 =	smov.u32 @p5 s0  }
0x20a: {  	s24 =	simm.s32 $0x10040;
	s23 =	sshll.u32 s23, $0x4  }
0x20b: {  	v5 =	vld [tilespmem:s23+$0x10000];
	[tilespmem:s24+$0xFFFFFFC0] =	vst v0  }
0x20c: {  	s21 =	smov.u32 @p2 s28;
	[tilespmem:s24+$0x30] =	vst v0  }
0x20d: {  	s21 =	smov.u32 @p4 s30;
	[tilespmem:s24+$0x20] =	vst v0  }
0x20e: {  	s21 =	smov.u32 @p0 s29;
	[tilespmem:s24+$0x10] =	vst v0;
	s0 =	spop (v2sf)  }
0x20f: {  	[tilespmem:s24+$0x0] =	vst v0;
	s21 =	smov.u32 @p3 s0;
	s0 =	spop (v2sf)  }
0x210: {  	[tilespmem:s24+$0xFFFFFFF0] =	vst v0;
	s21 =	smov.u32 @p6 s0;
	s0 =	spop (v2sf)  }
0x211: {  	s25 =	simm.s32 $0x0;
	[tilespmem:s24+$0xFFFFFFE0] =	vst v0;
	s21 =	smov.u32 @p5 s0  }
.LBB2_23:
0x212: {  	s25 =	sadd.s32 $0x8, s25;
	[tilespmem:s24+$0xFFFFFFD0] =	vst v0;
	s24 =	sadd.s32 $0x80, s24  }
0x213: {  	[tilespmem:s24+$0xFFFFFFC0] =	vst v0;
	p0 =	slt.u32 s25, $0x38  }
0x214: {  	[tilespmem:s24+$0x30] =	vst v0  }
.Ltmp11:
0x215: {  	[tilespmem:s24+$0x20] =	vst v0;
	(pc) =	sbr.rel @p0 .LBB2_23-.Ltmp11, $4  }
0x216: {  	[tilespmem:s24+$0x10] =	vst v0  }
0x217: {  	[tilespmem:s24+$0x0] =	vst v0  }
0x218: {  	[tilespmem:s24+$0xFFFFFFF0] =	vst v0  }
0x219: {  	[tilespmem:s24+$0xFFFFFFE0] =	vst v0  }
0x21a: {  	(xrf0) =	vadd.scan.msk.s32 $0xffff, v5;
	_ =	sdelay $0x5  }
0x21b: {  	v6, _, _ =	vpop (xrf0)  }
0x21c: {  	(v2sf) =	vpush v6, $0xF;
	_ =	sdelay $0xe  }
0x21d: {  	s0 =	spop (v2sf)  }
0x21e: {  	s0 =	sadd.s32 s21, s0  }
0x21f: {  	v6 =	vsub.s32 s0, v6  }
0x220: {  	v5 =	vadd.s32 v5, v6  }
0x221: {  	vm0 =	vge.s32 v5, v4  }
0x222: {  	v4 =	vsel vm0, $0x1, v0  }
0x223: {  	(xrf0) =	vadd.scan.msk.s32 $0xffff, v4;
	_ =	sdelay $0x5  }
0x224: {  	v4, _, _ =	vpop (xrf0)  }
0x225: {  	(v2sf) =	vpush v4, $0xF;
	_ =	sdelay $0xe  }
0x226: {  	s30 =	spop (v2sf)  }
0x227: {  	s0 =	sadd.s32 $0xFFFFFFFF, s30  }
0x228: {  	v4 =	vmov s0  }
0x229: {  	vm15 =	veq.s32 v4, v2  }
0x22a: {  	v4 =	vnsel vm15, $0x0, v6  }
0x22b: {  	(xrf0) =	vadd.scan.msk.s32 $0xffff, v4;
	_ =	sdelay $0x5  }
0x22c: {  	v4, _, _ =	vpop (xrf0)  }
0x22d: {  	(v2sf) =	vpush v4, $0xF;
	_ =	sdelay $0x5  }
0x22e: {  	[tilespmem:s24+$0xFFFFFFD0] =	vst v0  }
0x22f: {  	s31 =	sld [smem:$0x7FB];
	_ =	sdelay $0x2  }
0x230: {  	p0 =	seq.s32 s31, $0x1  }
.Ltmp12:
0x231: {  	_ = 	snop;
	(pc) =	sbr.rel @p0 .LBB2_32-.Ltmp12, $4  }
0x232: {  	[tilespmem:$0x18800] =	vst v0  }
0x233: {  	s3 =	sshll.u32 s22, $0xB;
	[tilespmem:$0x18810] =	vst v0  }
0x234: {  	[tilespmem:$0x18820] =	vst v0;
	s3 =	sadd.s32 s23, s3  }
0x235: {  	[tilespmem:$0x18830] =	vst v0;
	s21 =	sadd.s32 s3, s0;
	s22 =	spop (v2sf)  }
0x236: {  	s23 =	simm.s32 $0x10800  }
0x237: {  	p0 =	seq.s32 s20, $0x1;
	v10 =	vld [tilespmem:s23+$0x0]  }
.Ltmp13:
0x238: {  	_ = 	snop;
	(pc) =	sbr.rel @p0 .LBB2_26-.Ltmp13, $3  }
0x239: {  	_ =	sdelay $0x1  }
0x23a: {  	s24 =	simm.s32 $0x0  }
0x23b: {  	v4 =	vmov s21;
	p1 =	por $0x0, $0x0;
	s23 =	sadd.s32 $0xFFFFFFFF, s20;
	v9 =	vor.u32 s24, v2;
	s20 =	simm.s32 $0x10810;
	v8 =	vshrl.u32 v10, $0xA  }
0x23c: {  	v7 =	vld [tilespmem:s20+$0x0];
	vm0 =	veq.s32 v8, v4;
	vm1 =	vlt.s32 v9, v3;
	p0 =	seq.s32 s23, $0x1  }
.Ltmp14:
0x23d: {  	vm0 =	vmand vm1, vm0;
	(pc) =	sbr.rel @p0 .LBB2_28-.Ltmp14, $4  }
0x23e: {  	v5 =	vand.u32 $0x3FF, v10;
	v6 =	vshrl.u32 v10, $0x4;
	vm1 =	vmmov vm0  }
0x23f: {  	v6 =	vand.u32 $0x3F, v6  }
0x240: {  	s20 =	simm.s32 $0x10  }
0x241: {  	s23 =	sadd.s32 $0xFFFFFFFF, s23;
	s24 =	simm.s32 $0x10820;
	p1 =	por $0x1, $0x1;
	v9 =	vor.u32 s20, v2;
	v8 =	vshrl.u32 v7, $0xA  }
.LBB2_29:
0x242: {  	v10 =	vld [tilespmem:s24+$0x0];
	vm2 =	veq.s32 v8, v4;
	vm3 =	vlt.s32 v9, v3;
	p0 =	seq.s32 s23, $0x1  }
.Ltmp15:
0x243: {  	s23 =	sadd.s32 $0xFFFFFFFF, s23;
	[tilespmem:v5+s12+$0x0] =	vst.idx.add.s32.msk vm0, v1;
	vm0 =	vmand vm3, vm2;
	(pc) =	sbr.rel @!p0 .LBB2_29-.Ltmp15, $4  }
0x244: {  	v5 =	vand.u32 $0x3FF, v7;
	v7 =	vshrl.u32 v7, $0x4;
	[tilespmem:v6+s13+$0x0] =	vst.idx.add.s32.msk vm1, v1;
	vm1 =	vmmov vm0  }
0x245: {  	v6 =	vand.u32 $0x3F, v7  }
0x246: {  	s20 =	sadd.s32 $0x10, s20  }
0x247: {  	s24 =	sadd.s32 $0x10, s24;
	v9 =	vor.u32 s20, v2;
	v8 =	vshrl.u32 v10, $0xA;
	v7 =	vmov v10  }
0x248: {  	v10 =	vmov v7  }
.LBB2_31:
0x249: {  	vm2 =	veq.s32 v8, v4;
	vm3 =	vlt.s32 v9, v3  }
0x24a: {  	vm2 =	vmand vm3, vm2  }
0x24b: {  	v3 =	vand.u32 $0x3FF, v10;
	v63 =	vshrl.u32 v10, $0x4  }
0x24c: {  	v4 =	vand.u32 $0x3F, v63;
	_ =	sdelay $0x1  }
0x24d: {  	[tilespmem:v5+s12+$0x0] =	vst.idx.add.s32.msk @p1 vm0, v1  }
0x24e: {  	[tilespmem:v6+s13+$0x0] =	vst.idx.add.s32.msk @p1 vm1, v1  }
0x24f: {  	[tilespmem:v3+s12+$0x0] =	vst.idx.add.s32.msk vm2, v1  }
0x250: {  	vm3 =	vmmov vm2;
	[tilespmem:v4+s13+$0x0] =	vst.idx.add.s32.msk vm2, v1  }
.LBB2_32:
0x251: {  	s0 =	ssub.s32 s19, s22  }
0x252: {  	p1 =	por $0x1, $0x1;
	p2 =	por $0x0, $0x0;
	s23 =	simm.s32 $0x0  }
0x253: {  	s19 =	simm.s32 $0x0;
	s20 =	simm.s32 $0x0;
	s22 =	simm.s32 $0x0;
	v3 =	vmov s0  }
.LBB2_33:
0x254: {  	s0 =	ssub.s32 $0x18830, s22  }
0x255: {  	v4 =	vld [tilespmem:s0+$0x0];
	_ =	sdelay $0x4  }
0x256: {  	(xrf0) =	vadd.scan.msk.s32 $0xffff, v4;
	_ =	sdelay $0x5  }
0x257: {  	v5, _, _ =	vpop (xrf0)  }
0x258: {  	(v2sf) =	vpush v5, $0xF;
	_ =	sdelay $0xe  }
0x259: {  	s28 =	spop (v2sf)  }
0x25a: {  	s0 =	sadd.s32 s23, s28  }
0x25b: {  	v5 =	vsub.s32 s0, v5  }
0x25c: {  	v4 =	vadd.s32 v4, v5  }
0x25d: {  	vm0 =	vge.s32 v4, v3  }
0x25e: {  	v4 =	vsel vm0, $0x1, v0  }
0x25f: {  	(xrf0) =	vadd.scan.msk.s32 $0xffff, v4;
	_ =	sdelay $0x5  }
0x260: {  	v4, _, _ =	vpop (xrf0)  }
0x261: {  	(v2sf) =	vpush v4, $0xF;
	_ =	sdelay $0xe  }
0x262: {  	s4 =	ssub.s32 $0x18820, s22;
	s3 =	spop (v2sf)  }
0x263: {  	v4 =	vld [tilespmem:s4+$0x0];
	s15 =	sadd.s32 $0xFFFFFFFF, s3  }
0x264: {  	v6 =	vmov s15  }
0x265: {  	vm13 =	veq.s32 v6, v2  }
0x266: {  	v5 =	vnsel vm13, $0x0, v5  }
0x267: {  	(xrf0) =	vadd.scan.msk.s32 $0xffff, v5  }
0x268: {  	(xrf0) =	vadd.scan.msk.s32 $0xffff, v4;
	_ =	sdelay $0x4  }
0x269: {  	v5, _, _ =	vpop (xrf0)  }
0x26a: {  	(v2sf) =	vpush v5, $0xF;
	v5, _, _ =	vpop (xrf0)  }
0x26b: {  	(v2sf) =	vpush v5, $0xF;
	_ =	sdelay $0xd  }
0x26c: {  	s4 =	spop (v2sf)  }
0x26d: {  	s29 =	spop (v2sf)  }
0x26e: {  	s23 =	sadd.s32 s29, s0  }
0x26f: {  	v5 =	vsub.s32 s23, v5  }
0x270: {  	v4 =	vadd.s32 v4, v5  }
0x271: {  	vm14 =	vge.s32 v4, v3  }
0x272: {  	v4 =	vsel vm14, $0x1, v0  }
0x273: {  	(xrf0) =	vadd.scan.msk.s32 $0xffff, v4;
	_ =	sdelay $0x5  }
0x274: {  	v4, _, _ =	vpop (xrf0)  }
0x275: {  	(v2sf) =	vpush v4, $0xF;
	_ =	sdelay $0xe  }
0x276: {  	s30 =	spop (v2sf)  }
0x277: {  	s31 =	sadd.s32 $0xFFFFFFFF, s30  }
0x278: {  	v4 =	vmov s31  }
0x279: {  	vm15 =	veq.s32 v4, v2  }
0x27a: {  	v4 =	vnsel vm15, $0x0, v5  }
0x27b: {  	(xrf0) =	vadd.scan.msk.s32 $0xffff, v4;
	_ =	sdelay $0x5  }
0x27c: {  	v4, _, _ =	vpop (xrf0)  }
0x27d: {  	(v2sf) =	vpush v4, $0xF;
	_ =	sdelay $0x7  }
0x27e: {  	p3 =	sgt.s32 s3, $0x0  }
0x27f: {  	p0 =	por !p2, !p2;
	p5 =	por p2, p3  }
0x280: {  	p0 =	por !p3, !p0;
	p3 =	por !p5, !p5;
	p4 =	sgt.s32 s30, $0x0  }
0x281: {  	s3 =	ssub.s32 s3, s22;
	p6 =	por !p4, !p3;
	p3 =	por p1, p1  }
.Ltmp16:
0x282: {  	s3 =	sadd.s32 $0x2F, s3;
	p0 =	por !p0, !p0;
	(pc) =	sbr.rel @p3 .LBB2_33-.Ltmp16, $4  }
0x283: {  	s20 =	smov.u32 @p0 s3;
	s0 =	ssub.s32 s30, s22  }
0x284: {  	s19 =	smov.u32 @p0 s4;
	s22 =	simm.s32 $0x20;
	s0 =	sadd.s32 $0x1F, s0  }
0x285: {  	p2 =	por p5, p4;
	p0 =	por !p6, !p6;
	s3 =	spop (v2sf)  }
0x286: {  	p1 =	por $0x0, $0x0;
	s20 =	smov.u32 @p0 s0;
	s19 =	smov.u32 @p0 s3  }
0x287: {  	s0 =	sshll.u32 s20, $0x4  }
0x288: {  	v4 =	vld [tilespmem:s0+$0x10000];
	_ =	sdelay $0x4  }
0x289: {  	(xrf0) =	vadd.scan.msk.s32 $0xffff, v4;
	_ =	sdelay $0x5  }
0x28a: {  	v5, _, _ =	vpop (xrf0)  }
0x28b: {  	(v2sf) =	vpush v5, $0xF;
	_ =	sdelay $0xe  }
0x28c: {  	s3 =	spop (v2sf)  }
0x28d: {  	v4 =	vsub.s32 v4, v5;
	s3 =	sadd.s32 s19, s3  }
0x28e: {  	v4 =	vadd.s32 s3, v4  }
0x28f: {  	vm0 =	vge.s32 v4, v3  }
0x290: {  	v3 =	vsel vm0, $0x1, v0  }
0x291: {  	(xrf0) =	vadd.scan.msk.s32 $0xffff, v3;
	_ =	sdelay $0x5  }
0x292: {  	v3, _, _ =	vpop (xrf0)  }
0x293: {  	(v2sf) =	vpush v3, $0xF;
	_ =	sdelay $0xd  }
0x294: {  	s30 =	sshll.u32 s21, $0xA  }
0x295: {  	s0 =	sadd.s32 s0, s30;
	s4 =	spop (v2sf)  }
0x296: {  	s0 =	sadd.s32 s4, s0  }
0x297: {  	s0 =	sadd.s32 $0xFFFFFFFF, s0  }
0x298: {  	s18 =	sadd.s32 $0x1, s18;
	s3 =	simm.s32 $0xFFFFFFFF;
	p0 =	sgt.s32 s0, $0xFFFFFFFF  }
0x299: {  	s3 =	simm.s32 @!p0 $0x80000000;
	p0 =	sne.s32 s18, $0x4  }
.Ltmp17:
0x29a: {  	s31 =	sld [smem:$0x7FD];
	(pc) =	sbr.rel @p0 .LBB2_2-.Ltmp17, $4  }
.Ltmp18:
0x29b: {  	_ = 	snop;
	(pc) =	sbr.rel @!p0 .LBB2_35-.Ltmp18, $4  }
0x29c: {  	s0 =	sxor.u32 s0, s3  }
0x29d: {  	p1 =	seq.s32 s31, $0x1;
	v3 =	vmov s0  }
0x29e: {  	p1 =	por !p1, !p1;
	v3 =	vbroadcast v3, $0x0  }
0x29f: {  	_ = 	snop  }
.LBB2_16:
.Ltmp19:
0x2a0: {  	(pc) =	sbr.rel .LBB2_19-.Ltmp19, $2  }
0x2a1: {  	_ =	sdelay $0x2  }
0x2a2: {  	_ = 	snop  }
.LBB2_26:
.Ltmp20:
0x2a3: {  	(pc) =	sbr.rel .LBB2_31-.Ltmp20, $2  }
0x2a4: {  	_ =	sdelay $0x2  }
0x2a5: {  	_ = 	snop  }
.LBB2_28:
.Ltmp21:
0x2a6: {  	(pc) =	sbr.rel .LBB2_31-.Ltmp21, $2  }
0x2a7: {  	_ =	sdelay $0x2  }
0x2a8: {  	v10 =	vmov v7  }
.LBB2_35:
0x2a9: {  	s18 =	simm.s32 $0x8070  }
0x2aa: {  	v7 =	vld [tilespmem:s18+$0x0]  }
0x2ab: {  	v10 =	vld [tilespmem:s18+$0xFFFFFFA0]  }
0x2ac: {  	v9 =	vld [tilespmem:s18+$0xFFFFFFB0]  }
0x2ad: {  	v8 =	vld [tilespmem:s18+$0xFFFFFFC0]  }
0x2ae: {  	v6 =	vld [tilespmem:s18+$0xFFFFFFD0]  }
0x2af: {  	v5 =	vld [tilespmem:s18+$0xFFFFFFE0];
	vm0 =	vge.f32 v7, v3  }
0x2b0: {  	v4 =	vld [tilespmem:s18+$0xFFFFFFF0];
	vm1 =	vge.f32 v10, v3;
	v11 =	vnsel vm0, $0x0, v7  }
0x2b1: {  	s19 =	simm.s32 $0x0;
	s20 =	simm.s32 $0x80F0;
	v7 =	vld [tilespmem:s18+$0xFFFFFF90];
	v10 =	vnsel vm1, $0x0, v10;
	vm0 =	vge.f32 v9, v3;
	[tilespmem:s18+$0x0] =	vst v11  }
.LBB2_36:
0x2b2: {  	v11 =	vld [tilespmem:s20+$0x0];
	s19 =	sadd.s32 $0x8, s19;
	[tilespmem:s18+$0xFFFFFFA0] =	vst v10;
	v9 =	vnsel vm0, $0x0, v9;
	vm0 =	vge.f32 v8, v3  }
0x2b3: {  	v10 =	vld [tilespmem:s20+$0xFFFFFFA0];
	p0 =	slt.u32 s19, $0x7F8;
	[tilespmem:s18+$0xFFFFFFB0] =	vst v9;
	v8 =	vnsel vm0, $0x0, v8;
	vm0 =	vge.f32 v6, v3  }
0x2b4: {  	v9 =	vld [tilespmem:s20+$0xFFFFFFB0];
	[tilespmem:s18+$0xFFFFFFC0] =	vst v8;
	v6 =	vnsel vm0, $0x0, v6;
	vm0 =	vge.f32 v5, v3  }
.Ltmp22:
0x2b5: {  	v8 =	vld [tilespmem:s20+$0xFFFFFFC0];
	[tilespmem:s18+$0xFFFFFFD0] =	vst v6;
	v5 =	vnsel vm0, $0x0, v5;
	vm0 =	vge.f32 v4, v3;
	(pc) =	sbr.rel @p0 .LBB2_36-.Ltmp22, $4  }
0x2b6: {  	v6 =	vld [tilespmem:s20+$0xFFFFFFD0];
	vm1 =	vge.f32 v7, v3;
	[tilespmem:s18+$0xFFFFFFE0] =	vst v5;
	v4 =	vnsel vm0, $0x0, v4  }
0x2b7: {  	v5 =	vld [tilespmem:s20+$0xFFFFFFE0];
	vm0 =	vge.f32 v11, v3;
	v7 =	vnsel vm1, $0x0, v7;
	[tilespmem:s18+$0xFFFFFFF0] =	vst v4  }
0x2b8: {  	vm1 =	vge.f32 v10, v3;
	v4 =	vld [tilespmem:s20+$0xFFFFFFF0];
	v11 =	vnsel vm0, $0x0, v11;
	[tilespmem:s18+$0xFFFFFF90] =	vst v7;
	s18 =	smov.u32 s20  }
0x2b9: {  	s20 =	sadd.s32 $0x80, s20;
	v7 =	vld [tilespmem:s18+$0xFFFFFF90];
	v10 =	vnsel vm1, $0x0, v10;
	vm0 =	vge.f32 v9, v3;
	[tilespmem:s18+$0x0] =	vst v11  }
0x2ba: {  	[tilespmem:s18+$0xFFFFFFA0] =	vst v10;
	v9 =	vnsel vm0, $0x0, v9;
	vm12 =	vge.f32 v8, v3  }
0x2bb: {  	[tilespmem:s18+$0xFFFFFFB0] =	vst v9;
	v8 =	vnsel vm12, $0x0, v8;
	vm13 =	vge.f32 v6, v3  }
0x2bc: {  	[tilespmem:s18+$0xFFFFFFC0] =	vst v8;
	v6 =	vnsel vm13, $0x0, v6;
	vm14 =	vge.f32 v5, v3  }
0x2bd: {  	[tilespmem:s18+$0xFFFFFFD0] =	vst v6;
	v5 =	vnsel vm14, $0x0, v5;
	vm15 =	vge.f32 v4, v3  }
0x2be: {  	s17 =	sadd.s32 $0x1, s17;
	vm1 =	vge.f32 v7, v3;
	[tilespmem:s18+$0xFFFFFFE0] =	vst v5;
	v3 =	vnsel vm15, $0x0, v4  }
0x2bf: {  	p0 =	sne.s32 s17, s8;
	v63 =	vnsel vm1, $0x0, v7;
	[tilespmem:s18+$0xFFFFFFF0] =	vst v3  }
.Ltmp23:
0x2c0: {  	s0 =	simm.s32 $0x8000;
	[tilespmem:s18+$0xFFFFFF90] =	vst v63;
	(pc) =	sbr.rel @p0 .LBB2_1-.Ltmp23, $4  }
0x2c1: {  	[hbm4b:s7+s9] =	stream.strided.scatter [tilespmem:s0], [sflag:$0x3], $0x8000, s10, s9, $0x38;
	[tilespmem:$0x18880] =	vst v63  }
0x2c2: {  	_ =	swait.ge [sflag:s16], $0x8000  }
0x2c3: {  	[sflag:s16] =	ssyncset.done $0x0  }
0x2c4: {  	[sflag:s16] =	ssyncadd.s32 $0xFFFF8000  }
0x2c5: {  	_ =	sfence.sel $0x180000  }
0x2c6: {  	[bflag:$0x0] =	sbarrier.arrive $0xFFFF  }
0x2c7: {  	_ =	strace $0x90000047  }
0x2c8: {  	s0 =	stileid.u32;
	[bflag:$0x2] =	sbarrier.arrive $0xFFFF  }
0x2c9: {  	p0 =	sne.s32 s0, $0x0;
	s0 =	rddreg [dreg:$0x2]  }
0x2ca: {  	s0 =	sadd.s32 @!p0 $0x100000, s0  }
0x2cb: {  	[sflag:s0] =	ssyncadd.tile.s32 @!p0 $0x1;
	_ =	shalt  }
.Lfunc_end2:
_tile_overlayer_lowered:
.L_overlay_start_2:
0x2cc: {  	(tag) =	ssettag $0x2  }
0x2cd: {  	s0 =	rddreg [dreg:$0x0];
	s2 =	stileid.u32  }
0x2ce: {  	s1 =	rddreg [dreg:$0x1];
	p0 =	sne.s32 s2, $0x0  }
0x2cf: {  	s3 =	rddreg [dreg:$0x2];
	[bflag:$0x3] =	sbarrier.arrive $0xFFFF;
	s2 =	simm.s32 @!p0 $0x1C03  }
0x2d0: {  	[timem:s3], [sflag:s2] =	dma.local @!p0 [hbm:s0], s1  }
0x2d1: {  	s0 =	simm.s32 @!p0 $0x3  }
0x2d2: {  	_ =	swait.ge @!p0 [sflag:s0], s1  }
0x2d3: {  	s1 =	ssub.s32 @!p0 $0x0, s1;
	[sflag:s0] =	ssyncset.done @!p0 $0x0  }
0x2d4: {  	[sflag:s0] =	ssyncadd.s32 @!p0 s1  }
0x2d5: {  	[bflag:$0x3] =	sbarrier.arrive $0xFFFF  }
0x2d6: {  	_ =	shalt  }

</sc_bundles>
